<compile_context>
chip_gen: v7x
topology: tpu7x:2x2x1
jax: 0.10.2.dev20260603
libtpu: 0.0.44.dev20260713+nightly
codegen_flags: <defaults>
</compile_context>

<pallas_src>
import functools

import jax
import jax.numpy as jnp
from jax import lax
from jax.experimental import pallas as pl
from jax.experimental.pallas import tpu as pltpu
from jax.experimental.pallas import tpu_sc as plsc

N = 10000
E = 320000
D = 128

NC = 2
NS = 16
NW = NC * NS
E_PER_W = E // NW
CH = 80
NCHUNK = E_PER_W // CH
NPAD = 10240
N_PER_TILE = NPAD // NS
ZR = 160

_mesh = functools.partial(
    plsc.VectorSubcoreMesh,
    core_axis_name="c",
    subcore_axis_name="s",
    num_cores=NC,
    num_subcores=NS,
)


NTRI = (NCHUNK - 2) // 3


def _spmm_body(u_hbm, row_hbm, col_hbm, zrows_hbm, out_hbm, acc, cbuf,
               gb0, gb1, gb2, ir0, ir1, ir2,
               gsem0, gsem1, gsem2, isem0, isem1, isem2):
    cid = lax.axis_index("c")
    sid = lax.axis_index("s")
    wid = sid * NC + cid
    rbase = sid * N_PER_TILE
    for j in range(N_PER_TILE // ZR):
        pltpu.sync_copy(zrows_hbm, acc.at[pl.ds(rbase + j * ZR, ZR)])

    pltpu.sync_copy(col_hbm.at[wid], cbuf)
    plsc.subcore_barrier()

    gbs = [gb0, gb1, gb2]
    gsems = [gsem0, gsem1, gsem2]
    irs = [ir0, ir1, ir2]
    isems = [isem0, isem1, isem2]
    a = [pltpu.async_copy(row_hbm.at[wid, b], irs[b], isems[b])
         for b in range(3)]
    gs = [pltpu.async_copy(u_hbm.at[cbuf.at[b]], gbs[b], gsems[b])
          for b in range(3)]

    def tri(i, carry):
        c = 3 * i
        for p in range(3):
            gs[p].wait()
            a[p].wait()
            pltpu.sync_copy(gbs[p], acc.at[irs[p]], add=True)
            nxt = c + p + 3
            if p < 2:
                pltpu.async_copy(u_hbm.at[cbuf.at[nxt]], gbs[p], gsems[p])
                pltpu.async_copy(row_hbm.at[wid, nxt], irs[p], isems[p])
            else:
                @pl.when(nxt < NCHUNK)
                def _():
                    pltpu.async_copy(u_hbm.at[cbuf.at[nxt]], gbs[p], gsems[p])
                    pltpu.async_copy(row_hbm.at[wid, nxt], irs[p], isems[p])

        return carry

    lax.fori_loop(0, NTRI, tri, 0)
    for p in range(2):
        gs[p].wait()
        a[p].wait()
        pltpu.sync_copy(gbs[p], acc.at[irs[p]], add=True)

    plsc.subcore_barrier()
    pltpu.sync_copy(acc.at[pl.ds(rbase, N_PER_TILE)],
                    out_hbm.at[cid, pl.ds(rbase, N_PER_TILE)])


def _spmm(u, row3d, col3d, zrows):
    return pl.kernel(
        _spmm_body,
        out_type=jax.ShapeDtypeStruct((NC, NPAD, D), jnp.float32),
        mesh=_mesh(),
        scratch_types=[
            pltpu.VMEM_SHARED((NPAD, D), jnp.float32),
            pltpu.VMEM((NCHUNK, CH), jnp.int32),
            pltpu.VMEM((CH, D), jnp.float32),
            pltpu.VMEM((CH, D), jnp.float32),
            pltpu.VMEM((CH, D), jnp.float32),
            pltpu.VMEM((CH,), jnp.int32),
            pltpu.VMEM((CH,), jnp.int32),
            pltpu.VMEM((CH,), jnp.int32),
            pltpu.SemaphoreType.DMA,
            pltpu.SemaphoreType.DMA,
            pltpu.SemaphoreType.DMA,
            pltpu.SemaphoreType.DMA,
            pltpu.SemaphoreType.DMA,
            pltpu.SemaphoreType.DMA,
        ],
    )(u, row3d, col3d, zrows)


def _deg_body(row_hbm, zrows_hbm, ones_hbm, out_hbm, acc, rbuf, obuf):
    cid = lax.axis_index("c")
    sid = lax.axis_index("s")
    wid = sid * NC + cid
    rbase = sid * N_PER_TILE
    for j in range(N_PER_TILE // ZR):
        pltpu.sync_copy(zrows_hbm, acc.at[pl.ds(rbase + j * ZR, ZR)])
    pltpu.sync_copy(ones_hbm, obuf)
    pltpu.sync_copy(row_hbm.at[wid], rbuf)
    plsc.subcore_barrier()

    def chunk(c, carry):
        pltpu.sync_copy(obuf, acc.at[rbuf.at[c]], add=True)
        return carry

    lax.fori_loop(0, NCHUNK, chunk, 0)

    plsc.subcore_barrier()
    pltpu.sync_copy(acc.at[pl.ds(rbase, N_PER_TILE)],
                    out_hbm.at[cid, pl.ds(rbase, N_PER_TILE)])


def _deg(row3d, zrows, ones128):
    return pl.kernel(
        _deg_body,
        out_type=jax.ShapeDtypeStruct((NC, NPAD, D), jnp.float32),
        mesh=_mesh(),
        scratch_types=[
            pltpu.VMEM_SHARED((NPAD, D), jnp.float32),
            pltpu.VMEM((NCHUNK, CH), jnp.int32),
            pltpu.VMEM((CH, D), jnp.float32),
        ],
    )(row3d, zrows, ones128)



BLK = 1000
GRID = N // BLK

_f32 = jnp.float32


def _dinv_of(dp_ref):
    deg = dp_ref[0, :, 0:1] + dp_ref[1, :, 0:1] + 1.0
    return lax.rsqrt(deg)


def _kin_body(x_ref, w_ref, b_ref, dp_ref, h0_ref, u0_ref):
    h0 = jnp.dot(x_ref[...], w_ref[...], preferred_element_type=_f32) + b_ref[...]
    h0_ref[...] = h0
    u0_ref[...] = h0 * _dinv_of(dp_ref)


def _kmid_body(s_ref, u0_ref, h0_ref, dp_ref, w0_ref, b0_ref, g_ref, bb_ref,
               wsk_ref, bsk_ref, h_ref, u1_ref):
    dinv = _dinv_of(dp_ref)
    t = (s_ref[0] + s_ref[1] + u0_ref[...]) * dinv
    h = jnp.dot(t, w0_ref[...], preferred_element_type=_f32) + b0_ref[...]
    mu = jnp.mean(h, axis=1, keepdims=True)
    var = jnp.mean((h - mu) ** 2, axis=1, keepdims=True)
    h = (h - mu) * lax.rsqrt(var + 1e-5) * g_ref[...] + bb_ref[...]
    h = jnp.maximum(h, 0.0)
    h = h + jnp.dot(h0_ref[...], wsk_ref[...], preferred_element_type=_f32) + bsk_ref[...]
    h_ref[...] = h
    u1_ref[...] = h * dinv


def _kout_body(s_ref, u1_ref, h_ref, dp_ref, w1_ref, b1_ref, wsk_ref, bsk_ref, o_ref):
    dinv = _dinv_of(dp_ref)
    t = (s_ref[0] + s_ref[1] + u1_ref[...]) * dinv
    o_ref[...] = (jnp.dot(t, w1_ref[...], preferred_element_type=_f32) + b1_ref[...]
                  + jnp.dot(h_ref[...], wsk_ref[...], preferred_element_type=_f32)
                  + bsk_ref[...])


def _row_spec():
    return pl.BlockSpec((BLK, D), lambda i: (i, 0))


def _part_spec():
    return pl.BlockSpec((NC, BLK, D), lambda i: (0, i, 0))


def _dp_spec():
    return pl.BlockSpec((NC, BLK, D), lambda i: (0, i, 0))


def _w_spec():
    return pl.BlockSpec((D, D), lambda i: (0, 0))


def _b_spec():
    return pl.BlockSpec((1, D), lambda i: (0, 0))


def _sds(shape):
    return jax.ShapeDtypeStruct(shape, _f32)


def _kin(x, W_in, b_in, dp):
    return pl.pallas_call(
        _kin_body,
        grid=(GRID,),
        in_specs=[_row_spec(), _w_spec(), _b_spec(), _dp_spec()],
        out_specs=[_row_spec(), _row_spec()],
        out_shape=[_sds((N, D)), _sds((N, D))],
    )(x, W_in, b_in, dp)


def _kmid(s0, u0, h0, dp, W0, b0, ln_g, ln_b, Wskip0, bskip0):
    return pl.pallas_call(
        _kmid_body,
        grid=(GRID,),
        in_specs=[_part_spec(), _row_spec(), _row_spec(), _dp_spec(),
                  _w_spec(), _b_spec(), _b_spec(), _b_spec(), _w_spec(), _b_spec()],
        out_specs=[_row_spec(), _row_spec()],
        out_shape=[_sds((N, D)), _sds((N, D))],
    )(s0, u0, h0, dp, W0, b0, ln_g, ln_b, Wskip0, bskip0)


def _kout(s1, u1, h, dp, W1, b1, Wskip1, bskip1):
    return pl.pallas_call(
        _kout_body,
        grid=(GRID,),
        in_specs=[_part_spec(), _row_spec(), _row_spec(), _dp_spec(),
                  _w_spec(), _b_spec(), _w_spec(), _b_spec()],
        out_specs=_row_spec(),
        out_shape=_sds((N, D)),
    )(s1, u1, h, dp, W1, b1, Wskip1, bskip1)


def kernel(x, edge_index, W_in, b_in, W0, b0, ln_g, ln_b, Wskip0, bskip0,
           W1, b1, Wskip1, bskip1):
    ei = edge_index.astype(jnp.int32)
    row3d = ei[0].reshape(NW, NCHUNK, CH)
    col3d = ei[1].reshape(NW, NCHUNK, CH)
    zrows = jnp.zeros((ZR, D), _f32)
    ones128 = jnp.ones((CH, D), _f32)
    b_in2 = b_in.reshape(1, D)
    b02 = b0.reshape(1, D)
    b12 = b1.reshape(1, D)
    g2 = ln_g.reshape(1, D)
    lb2 = ln_b.reshape(1, D)
    bsk02 = bskip0.reshape(1, D)
    bsk12 = bskip1.reshape(1, D)

    dp = _deg(row3d, zrows, ones128)
    h0, u0 = _kin(x, W_in, b_in2, dp)
    s0 = _spmm(u0, row3d, col3d, zrows)
    h, u1 = _kmid(s0, u0, h0, dp, W0, b02, g2, lb2, Wskip0, bsk02)
    s1 = _spmm(u1, row3d, col3d, zrows)
    out = _kout(s1, u1, h, dp, W1, b12, Wskip1, bsk12)
    return out

# --- scband reference (transcript-rebuilt; emitter-appended) ---
"""Pipeline reference for scband-gcn-63582695850896 (READ-ONLY COPY).

The authoritative reference and input builder live on the scoring server;
editing this copy changes nothing except your own understanding.
"""

import jax, jax.numpy as jnp
import numpy as np

N_NODES = 10000
N_EDGES = 320000
D = 128

def setup_inputs(seed: int = 0) -> dict:
    key = jax.random.key(seed)
    ks = [jax.random.fold_in(key, i) for i in range(16)]
    s = 1.0 / np.sqrt(D)
    return {
        'x': jax.random.normal(ks[0], (N_NODES, D), dtype=jnp.float32),
        'edge_index': jax.random.randint(ks[1], (2, N_EDGES), 0, N_NODES, dtype=jnp.int64),
        'W_in': jax.random.uniform(ks[2], (D, D), jnp.float32, -s, s),
        'b_in': jax.random.uniform(ks[3], (D,), jnp.float32, -s, s),
        'W0': jax.random.uniform(ks[4], (D, D), jnp.float32, -s, s),
        'b0': jax.random.uniform(ks[5], (D,), jnp.float32, -s, s),
        'ln_g': jnp.ones((D,), jnp.float32),
        'ln_b': jnp.zeros((D,), jnp.float32),
        'Wskip0': jax.random.uniform(ks[6], (D, D), jnp.float32, -s, s),
        'bskip0': jax.random.uniform(ks[7], (D,), jnp.float32, -s, s),
        'W1': jax.random.uniform(ks[8], (D, D), jnp.float32, -s, s),
        'b1': jax.random.uniform(ks[9], (D,), jnp.float32, -s, s),
        'Wskip1': jax.random.uniform(ks[10], (D, D), jnp.float32, -s, s),
        'bskip1': jax.random.uniform(ks[11], (D,), jnp.float32, -s, s),
    }

def reference(x, edge_index, W_in, b_in, W0, b0, ln_g, ln_b, Wskip0, bskip0, W1, b1, Wskip1, bskip1):
    N = x.shape[0]
    # add self loops
    loops = jnp.arange(N, dtype=edge_index.dtype)
    row = jnp.concatenate([edge_index[0], loops])
    col = jnp.concatenate([edge_index[1], loops])
    # symmetric normalization D^-1/2 A D^-1/2 (degree over rows, as in torch code)
    deg = jax.ops.segment_sum(jnp.ones(row.shape[0], jnp.float32), row, num_segments=N)
    dinv = jnp.where(deg > 0, deg ** -0.5, 0.0)
    val = dinv[row] * dinv[col]

    def spmm(h):
        # gather rows of h by col, scale by edge value, scatter-add into row
        return jax.ops.segment_sum(val[:, None] * jnp.take(h, col, axis=0), row, num_segments=N)

    # input projection
    h0 = x @ W_in + b_in
    # layer 0 (hidden): A h -> Linear -> LayerNorm -> ReLU -> (dropout: eval mode identity) -> skip
    h_in = h0
    h = spmm(h0)
    h = h @ W0 + b0
    mu = jnp.mean(h, axis=-1, keepdims=True)
    var = jnp.mean((h - mu) ** 2, axis=-1, keepdims=True)
    h = (h - mu) / jnp.sqrt(var + 1e-5) * ln_g + ln_b
    h = jax.nn.relu(h)
    h = h + (h_in @ Wskip0 + bskip0)
    # layer 1 (output): A h -> Linear -> Identity norm -> skip
    h_in2 = h
    h = spmm(h)
    h = h @ W1 + b1
    h = h + (h_in2 @ Wskip1 + bskip1)
    return h

if __name__ == "__main__":
    import jax
    _d = setup_inputs()
    print(jax.jit(kernel)(*tuple(_d.values())))

</pallas_src>

<mosaic_0001>
#map = affine_map<(d0, d1) -> (0, 0, 0)>
#map1 = affine_map<(d0, d1) -> (0, 0)>
module attributes {stable_mosaic.version = 14 : i64} {
  func.func @_deg_body(%arg0: i32, %arg1: i32, %arg2: memref<32x125x80xi32, #tpu.memory_space<hbm>>, %arg3: memref<160x128xf32, #tpu.memory_space<hbm>>, %arg4: memref<80x128xf32, #tpu.memory_space<hbm>>, %arg5: memref<2x10240x128xf32, #tpu.memory_space<hbm>>, %arg6: memref<10240x128xf32, #tpu.memory_space<vmem_shared>>, %arg7: memref<125x80xi32, #tpu.memory_space<vmem>>, %arg8: memref<80x128xf32, #tpu.memory_space<vmem>>) attributes {dimension_semantics = [#tpu.dimension_semantics<core_parallel>, #tpu.dimension_semantics<subcore_parallel>], iteration_bounds = array<i64: 2, 16>, scalar_prefetch = 0 : i64, scratch_operands = 3 : i64, tpu.core_type = #tpu.core_type<sc_vector_subcore>, window_params = [{transform_indices = #map}, {transform_indices = #map1}, {transform_indices = #map1}, {transform_indices = #map}]} {
    %mul3A = arith.constant 2 : i32
    %mul3A_0 = arith.muli %arg1, %mul3A : i32
    %add3A = arith.addi %mul3A_0, %arg0 : i32
    %mul3A_1 = arith.constant 640 : i32
    %mul3A_2 = arith.muli %arg1, %mul3A_1 : i32
    %add3A_3 = arith.constant 0 : i32
    %add3A_4 = arith.addi %mul3A_2, %add3A_3 : i32
    "tpu.region"() ({
      %run_scoped3A = tpu.sem_alloc : memref<!tpu.dma_semaphore, #tpu.memory_space<semaphore_mem>>
      %dma_start3A = arith.constant 0 : i32
      %dma_start3A_17 = tpu.memref_slice %arg6[%add3A_4, %dma_start3A] : memref<10240x128xf32, #tpu.memory_space<vmem_shared>> -> memref<160x128xf32, #tpu.memory_space<vmem_shared>>
      tpu.enqueue_dma source(%arg3 : memref<160x128xf32, #tpu.memory_space<hbm>>) target(%dma_start3A_17 : memref<160x128xf32, #tpu.memory_space<vmem_shared>>) target_semaphore(%run_scoped3A : memref<!tpu.dma_semaphore, #tpu.memory_space<semaphore_mem>>)
      %dma_wait3A = arith.constant 0 : i32
      %dma_wait3A_18 = tpu.memref_slice %arg6[%add3A_4, %dma_wait3A] : memref<10240x128xf32, #tpu.memory_space<vmem_shared>> -> memref<160x128xf32, #tpu.memory_space<vmem_shared>>
      tpu.wait_dma2 semaphore(%run_scoped3A : memref<!tpu.dma_semaphore, #tpu.memory_space<semaphore_mem>>) src(%arg3 : memref<160x128xf32, #tpu.memory_space<hbm>>) dst(%dma_wait3A_18 : memref<160x128xf32, #tpu.memory_space<vmem_shared>>)
      tpu.yield
    }) : () -> ()
    %add3A_5 = arith.constant 160 : i32
    %add3A_6 = arith.addi %mul3A_2, %add3A_5 : i32
    "tpu.region"() ({
      %run_scoped3A = tpu.sem_alloc : memref<!tpu.dma_semaphore, #tpu.memory_space<semaphore_mem>>
      %dma_start3A = arith.constant 0 : i32
      %dma_start3A_17 = tpu.memref_slice %arg6[%add3A_6, %dma_start3A] : memref<10240x128xf32, #tpu.memory_space<vmem_shared>> -> memref<160x128xf32, #tpu.memory_space<vmem_shared>>
      tpu.enqueue_dma source(%arg3 : memref<160x128xf32, #tpu.memory_space<hbm>>) target(%dma_start3A_17 : memref<160x128xf32, #tpu.memory_space<vmem_shared>>) target_semaphore(%run_scoped3A : memref<!tpu.dma_semaphore, #tpu.memory_space<semaphore_mem>>)
      %dma_wait3A = arith.constant 0 : i32
      %dma_wait3A_18 = tpu.memref_slice %arg6[%add3A_6, %dma_wait3A] : memref<10240x128xf32, #tpu.memory_space<vmem_shared>> -> memref<160x128xf32, #tpu.memory_space<vmem_shared>>
      tpu.wait_dma2 semaphore(%run_scoped3A : memref<!tpu.dma_semaphore, #tpu.memory_space<semaphore_mem>>) src(%arg3 : memref<160x128xf32, #tpu.memory_space<hbm>>) dst(%dma_wait3A_18 : memref<160x128xf32, #tpu.memory_space<vmem_shared>>)
      tpu.yield
    }) : () -> ()
    %add3A_7 = arith.constant 320 : i32
    %add3A_8 = arith.addi %mul3A_2, %add3A_7 : i32
    "tpu.region"() ({
      %run_scoped3A = tpu.sem_alloc : memref<!tpu.dma_semaphore, #tpu.memory_space<semaphore_mem>>
      %dma_start3A = arith.constant 0 : i32
      %dma_start3A_17 = tpu.memref_slice %arg6[%add3A_8, %dma_start3A] : memref<10240x128xf32, #tpu.memory_space<vmem_shared>> -> memref<160x128xf32, #tpu.memory_space<vmem_shared>>
      tpu.enqueue_dma source(%arg3 : memref<160x128xf32, #tpu.memory_space<hbm>>) target(%dma_start3A_17 : memref<160x128xf32, #tpu.memory_space<vmem_shared>>) target_semaphore(%run_scoped3A : memref<!tpu.dma_semaphore, #tpu.memory_space<semaphore_mem>>)
      %dma_wait3A = arith.constant 0 : i32
      %dma_wait3A_18 = tpu.memref_slice %arg6[%add3A_8, %dma_wait3A] : memref<10240x128xf32, #tpu.memory_space<vmem_shared>> -> memref<160x128xf32, #tpu.memory_space<vmem_shared>>
      tpu.wait_dma2 semaphore(%run_scoped3A : memref<!tpu.dma_semaphore, #tpu.memory_space<semaphore_mem>>) src(%arg3 : memref<160x128xf32, #tpu.memory_space<hbm>>) dst(%dma_wait3A_18 : memref<160x128xf32, #tpu.memory_space<vmem_shared>>)
      tpu.yield
    }) : () -> ()
    %add3A_9 = arith.constant 480 : i32
    %add3A_10 = arith.addi %mul3A_2, %add3A_9 : i32
    "tpu.region"() ({
      %run_scoped3A = tpu.sem_alloc : memref<!tpu.dma_semaphore, #tpu.memory_space<semaphore_mem>>
      %dma_start3A = arith.constant 0 : i32
      %dma_start3A_17 = tpu.memref_slice %arg6[%add3A_10, %dma_start3A] : memref<10240x128xf32, #tpu.memory_space<vmem_shared>> -> memref<160x128xf32, #tpu.memory_space<vmem_shared>>
      tpu.enqueue_dma source(%arg3 : memref<160x128xf32, #tpu.memory_space<hbm>>) target(%dma_start3A_17 : memref<160x128xf32, #tpu.memory_space<vmem_shared>>) target_semaphore(%run_scoped3A : memref<!tpu.dma_semaphore, #tpu.memory_space<semaphore_mem>>)
      %dma_wait3A = arith.constant 0 : i32
      %dma_wait3A_18 = tpu.memref_slice %arg6[%add3A_10, %dma_wait3A] : memref<10240x128xf32, #tpu.memory_space<vmem_shared>> -> memref<160x128xf32, #tpu.memory_space<vmem_shared>>
      tpu.wait_dma2 semaphore(%run_scoped3A : memref<!tpu.dma_semaphore, #tpu.memory_space<semaphore_mem>>) src(%arg3 : memref<160x128xf32, #tpu.memory_space<hbm>>) dst(%dma_wait3A_18 : memref<160x128xf32, #tpu.memory_space<vmem_shared>>)
      tpu.yield
    }) : () -> ()
    "tpu.region"() ({
      %run_scoped3A = tpu.sem_alloc : memref<!tpu.dma_semaphore, #tpu.memory_space<semaphore_mem>>
      tpu.enqueue_dma source(%arg4 : memref<80x128xf32, #tpu.memory_space<hbm>>) target(%arg8 : memref<80x128xf32, #tpu.memory_space<vmem>>) target_semaphore(%run_scoped3A : memref<!tpu.dma_semaphore, #tpu.memory_space<semaphore_mem>>)
      tpu.wait_dma2 semaphore(%run_scoped3A : memref<!tpu.dma_semaphore, #tpu.memory_space<semaphore_mem>>) src(%arg4 : memref<80x128xf32, #tpu.memory_space<hbm>>) dst(%arg8 : memref<80x128xf32, #tpu.memory_space<vmem>>)
      tpu.yield
    }) : () -> ()
    "tpu.region"() ({
      %run_scoped3A = tpu.sem_alloc : memref<!tpu.dma_semaphore, #tpu.memory_space<semaphore_mem>>
      %dma_start3A = arith.constant 0 : i32
      %dma_start3A_17 = arith.constant 0 : i32
      %dma_start3A_18 = tpu.memref_slice %arg2[%add3A, %dma_start3A, %dma_start3A_17] : memref<32x125x80xi32, #tpu.memory_space<hbm>> -> memref<1x125x80xi32, #tpu.memory_space<hbm>>
      %dma_start3A_19 = tpu.memref_squeeze %dma_start3A_18 : memref<1x125x80xi32, #tpu.memory_space<hbm>> -> memref<125x80xi32, #tpu.memory_space<hbm>>
      %dma_start3A_20 = arith.constant 0 : i32
      %dma_start3A_21 = arith.constant 0 : i32
      %dma_start3A_22 = tpu.memref_slice %arg2[%add3A, %dma_start3A_20, %dma_start3A_21] : memref<32x125x80xi32, #tpu.memory_space<hbm>> -> memref<1x125x80xi32, #tpu.memory_space<hbm>>
      %dma_start3A_23 = tpu.memref_squeeze %dma_start3A_22 : memref<1x125x80xi32, #tpu.memory_space<hbm>> -> memref<125x80xi32, #tpu.memory_space<hbm>>
      tpu.enqueue_dma source(%dma_start3A_23 : memref<125x80xi32, #tpu.memory_space<hbm>>) target(%arg7 : memref<125x80xi32, #tpu.memory_space<vmem>>) target_semaphore(%run_scoped3A : memref<!tpu.dma_semaphore, #tpu.memory_space<semaphore_mem>>)
      %dma_wait3A = arith.constant 0 : i32
      %dma_wait3A_24 = arith.constant 0 : i32
      %dma_wait3A_25 = tpu.memref_slice %arg2[%add3A, %dma_wait3A, %dma_wait3A_24] : memref<32x125x80xi32, #tpu.memory_space<hbm>> -> memref<1x125x80xi32, #tpu.memory_space<hbm>>
      %dma_wait3A_26 = tpu.memref_squeeze %dma_wait3A_25 : memref<1x125x80xi32, #tpu.memory_space<hbm>> -> memref<125x80xi32, #tpu.memory_space<hbm>>
      %dma_wait3A_27 = arith.constant 0 : i32
      %dma_wait3A_28 = arith.constant 0 : i32
      %dma_wait3A_29 = tpu.memref_slice %arg2[%add3A, %dma_wait3A_27, %dma_wait3A_28] : memref<32x125x80xi32, #tpu.memory_space<hbm>> -> memref<1x125x80xi32, #tpu.memory_space<hbm>>
      %dma_wait3A_30 = tpu.memref_squeeze %dma_wait3A_29 : memref<1x125x80xi32, #tpu.memory_space<hbm>> -> memref<125x80xi32, #tpu.memory_space<hbm>>
      tpu.wait_dma2 semaphore(%run_scoped3A : memref<!tpu.dma_semaphore, #tpu.memory_space<semaphore_mem>>) src(%dma_wait3A_30 : memref<125x80xi32, #tpu.memory_space<hbm>>) dst(%arg7 : memref<125x80xi32, #tpu.memory_space<vmem>>)
      tpu.yield
    }) : () -> ()
    %barrier3A = arith.constant 0 : index
    tpu.barrier barrier_id(%barrier3A)
    %scan3A = arith.constant 0 : i32
    %scan3A_11 = arith.constant 0 : i32
    %scan3A_12 = arith.constant 125 : i32
    %scan3A_13 = arith.addi %scan3A_11, %scan3A_12 : i32
    %scan3A_14 = arith.constant 1 : i32
    scf.for %scan3A_17 = %scan3A_11 to %scan3A_13 step %scan3A_14  : i32 {
      "tpu.region"() ({
        %run_scoped3A = tpu.sem_alloc : memref<!tpu.dma_semaphore, #tpu.memory_space<semaphore_mem>>
        %dma_start3A = arith.constant 0 : i32
        %dma_start3A_18 = tpu.memref_slice %arg7[%scan3A_17, %dma_start3A] : memref<125x80xi32, #tpu.memory_space<vmem>> -> memref<1x80xi32, #tpu.memory_space<vmem>>
        %dma_start3A_19 = tpu.memref_squeeze %dma_start3A_18 : memref<1x80xi32, #tpu.memory_space<vmem>> -> memref<80xi32, #tpu.memory_space<vmem>>
        %dma_start3A_20 = arith.constant 0 : i32
        %dma_start3A_21 = arith.constant 0 : i32
        %dma_start3A_22 = tpu.memref_slice %arg6[%dma_start3A_20, %dma_start3A_21] : memref<10240x128xf32, #tpu.memory_space<vmem_shared>> -> memref<10240x128xf32, #tpu.memory_space<vmem_shared>>
        tpu.enqueue_indirect_dma source(%arg8 : memref<80x128xf32, #tpu.memory_space<vmem>>) target(%dma_start3A_22 : memref<10240x128xf32, #tpu.memory_space<vmem_shared>>) offsets(%dma_start3A_19 : memref<80xi32, #tpu.memory_space<vmem>>) semaphore(%run_scoped3A : memref<!tpu.dma_semaphore, #tpu.memory_space<semaphore_mem>>) {add = true}
        %dma_wait3A = arith.constant 0 : i32
        %dma_wait3A_23 = tpu.memref_slice %arg7[%scan3A_17, %dma_wait3A] : memref<125x80xi32, #tpu.memory_space<vmem>> -> memref<1x80xi32, #tpu.memory_space<vmem>>
        %dma_wait3A_24 = tpu.memref_squeeze %dma_wait3A_23 : memref<1x80xi32, #tpu.memory_space<vmem>> -> memref<80xi32, #tpu.memory_space<vmem>>
        %dma_wait3A_25 = arith.constant 0 : i32
        %dma_wait3A_26 = arith.constant 0 : i32
        %dma_wait3A_27 = tpu.memref_slice %arg6[%dma_wait3A_25, %dma_wait3A_26] : memref<10240x128xf32, #tpu.memory_space<vmem_shared>> -> memref<10240x128xf32, #tpu.memory_space<vmem_shared>>
        tpu.wait_indirect_dma semaphore(%run_scoped3A : memref<!tpu.dma_semaphore, #tpu.memory_space<semaphore_mem>>) src(%arg8 : memref<80x128xf32, #tpu.memory_space<vmem>>) dst(%dma_wait3A_27 : memref<10240x128xf32, #tpu.memory_space<vmem_shared>>)
        tpu.yield
      }) : () -> ()
    }
    %scan3A_15 = arith.constant 125 : i32
    %barrier3A_16 = arith.constant 0 : index
    tpu.barrier barrier_id(%barrier3A_16)
    "tpu.region"() ({
      %run_scoped3A = tpu.sem_alloc : memref<!tpu.dma_semaphore, #tpu.memory_space<semaphore_mem>>
      %dma_start3A = arith.constant 0 : i32
      %dma_start3A_17 = tpu.memref_slice %arg5[%arg0, %mul3A_2, %dma_start3A] : memref<2x10240x128xf32, #tpu.memory_space<hbm>> -> memref<1x640x128xf32, #tpu.memory_space<hbm>>
      %dma_start3A_18 = tpu.memref_squeeze %dma_start3A_17 : memref<1x640x128xf32, #tpu.memory_space<hbm>> -> memref<640x128xf32, #tpu.memory_space<hbm>>
      %dma_start3A_19 = arith.constant 0 : i32
      %dma_start3A_20 = tpu.memref_slice %arg6[%mul3A_2, %dma_start3A_19] : memref<10240x128xf32, #tpu.memory_space<vmem_shared>> -> memref<640x128xf32, #tpu.memory_space<vmem_shared>>
      tpu.enqueue_dma source(%dma_start3A_20 : memref<640x128xf32, #tpu.memory_space<vmem_shared>>) target(%dma_start3A_18 : memref<640x128xf32, #tpu.memory_space<hbm>>) target_semaphore(%run_scoped3A : memref<!tpu.dma_semaphore, #tpu.memory_space<semaphore_mem>>)
      %dma_wait3A = arith.constant 0 : i32
      %dma_wait3A_21 = tpu.memref_slice %arg5[%arg0, %mul3A_2, %dma_wait3A] : memref<2x10240x128xf32, #tpu.memory_space<hbm>> -> memref<1x640x128xf32, #tpu.memory_space<hbm>>
      %dma_wait3A_22 = tpu.memref_squeeze %dma_wait3A_21 : memref<1x640x128xf32, #tpu.memory_space<hbm>> -> memref<640x128xf32, #tpu.memory_space<hbm>>
      %dma_wait3A_23 = arith.constant 0 : i32
      %dma_wait3A_24 = tpu.memref_slice %arg6[%mul3A_2, %dma_wait3A_23] : memref<10240x128xf32, #tpu.memory_space<vmem_shared>> -> memref<640x128xf32, #tpu.memory_space<vmem_shared>>
      tpu.wait_dma2 semaphore(%run_scoped3A : memref<!tpu.dma_semaphore, #tpu.memory_space<semaphore_mem>>) src(%dma_wait3A_24 : memref<640x128xf32, #tpu.memory_space<vmem_shared>>) dst(%dma_wait3A_22 : memref<640x128xf32, #tpu.memory_space<hbm>>)
      tpu.yield
    }) : () -> ()
    return
  }
}

#map = affine_map<(d0, d1) -> (0, 0)>
#map1 = affine_map<(d0, d1) -> (0, 0, 0)>
module attributes {stable_mosaic.version = 14 : i64} {
  func.func @_spmm_body(%arg0: i32, %arg1: i32, %arg2: memref<10000x128xf32, #tpu.memory_space<hbm>>, %arg3: memref<32x125x80xi32, #tpu.memory_space<hbm>>, %arg4: memref<32x125x80xi32, #tpu.memory_space<hbm>>, %arg5: memref<160x128xf32, #tpu.memory_space<hbm>>, %arg6: memref<2x10240x128xf32, #tpu.memory_space<hbm>>, %arg7: memref<10240x128xf32, #tpu.memory_space<vmem_shared>>, %arg8: memref<125x80xi32, #tpu.memory_space<vmem>>, %arg9: memref<80x128xf32, #tpu.memory_space<vmem>>, %arg10: memref<80x128xf32, #tpu.memory_space<vmem>>, %arg11: memref<80x128xf32, #tpu.memory_space<vmem>>, %arg12: memref<80xi32, #tpu.memory_space<vmem>>, %arg13: memref<80xi32, #tpu.memory_space<vmem>>, %arg14: memref<80xi32, #tpu.memory_space<vmem>>, %arg15: memref<!tpu.dma_semaphore, #tpu.memory_space<semaphore_mem>>, %arg16: memref<!tpu.dma_semaphore, #tpu.memory_space<semaphore_mem>>, %arg17: memref<!tpu.dma_semaphore, #tpu.memory_space<semaphore_mem>>, %arg18: memref<!tpu.dma_semaphore, #tpu.memory_space<semaphore_mem>>, %arg19: memref<!tpu.dma_semaphore, #tpu.memory_space<semaphore_mem>>, %arg20: memref<!tpu.dma_semaphore, #tpu.memory_space<semaphore_mem>>) attributes {dimension_semantics = [#tpu.dimension_semantics<core_parallel>, #tpu.dimension_semantics<subcore_parallel>], iteration_bounds = array<i64: 2, 16>, scalar_prefetch = 0 : i64, scratch_operands = 14 : i64, tpu.core_type = #tpu.core_type<sc_vector_subcore>, window_params = [{transform_indices = #map}, {transform_indices = #map1}, {transform_indices = #map1}, {transform_indices = #map}, {transform_indices = #map1}]} {
    %mul3A = arith.constant 2 : i32
    %mul3A_0 = arith.muli %arg1, %mul3A : i32
    %add3A = arith.addi %mul3A_0, %arg0 : i32
    %mul3A_1 = arith.constant 640 : i32
    %mul3A_2 = arith.muli %arg1, %mul3A_1 : i32
    %add3A_3 = arith.constant 0 : i32
    %add3A_4 = arith.addi %mul3A_2, %add3A_3 : i32
    "tpu.region"() ({
      %run_scoped3A = tpu.sem_alloc : memref<!tpu.dma_semaphore, #tpu.memory_space<semaphore_mem>>
      %dma_start3A_91 = arith.constant 0 : i32
      %dma_start3A_92 = tpu.memref_slice %arg7[%add3A_4, %dma_start3A_91] : memref<10240x128xf32, #tpu.memory_space<vmem_shared>> -> memref<160x128xf32, #tpu.memory_space<vmem_shared>>
      tpu.enqueue_dma source(%arg5 : memref<160x128xf32, #tpu.memory_space<hbm>>) target(%dma_start3A_92 : memref<160x128xf32, #tpu.memory_space<vmem_shared>>) target_semaphore(%run_scoped3A : memref<!tpu.dma_semaphore, #tpu.memory_space<semaphore_mem>>)
      %dma_wait3A_93 = arith.constant 0 : i32
      %dma_wait3A_94 = tpu.memref_slice %arg7[%add3A_4, %dma_wait3A_93] : memref<10240x128xf32, #tpu.memory_space<vmem_shared>> -> memref<160x128xf32, #tpu.memory_space<vmem_shared>>
      tpu.wait_dma2 semaphore(%run_scoped3A : memref<!tpu.dma_semaphore, #tpu.memory_space<semaphore_mem>>) src(%arg5 : memref<160x128xf32, #tpu.memory_space<hbm>>) dst(%dma_wait3A_94 : memref<160x128xf32, #tpu.memory_space<vmem_shared>>)
      tpu.yield
    }) : () -> ()
    %add3A_5 = arith.constant 160 : i32
    %add3A_6 = arith.addi %mul3A_2, %add3A_5 : i32
    "tpu.region"() ({
      %run_scoped3A = tpu.sem_alloc : memref<!tpu.dma_semaphore, #tpu.memory_space<semaphore_mem>>
      %dma_start3A_91 = arith.constant 0 : i32
      %dma_start3A_92 = tpu.memref_slice %arg7[%add3A_6, %dma_start3A_91] : memref<10240x128xf32, #tpu.memory_space<vmem_shared>> -> memref<160x128xf32, #tpu.memory_space<vmem_shared>>
      tpu.enqueue_dma source(%arg5 : memref<160x128xf32, #tpu.memory_space<hbm>>) target(%dma_start3A_92 : memref<160x128xf32, #tpu.memory_space<vmem_shared>>) target_semaphore(%run_scoped3A : memref<!tpu.dma_semaphore, #tpu.memory_space<semaphore_mem>>)
      %dma_wait3A_93 = arith.constant 0 : i32
      %dma_wait3A_94 = tpu.memref_slice %arg7[%add3A_6, %dma_wait3A_93] : memref<10240x128xf32, #tpu.memory_space<vmem_shared>> -> memref<160x128xf32, #tpu.memory_space<vmem_shared>>
      tpu.wait_dma2 semaphore(%run_scoped3A : memref<!tpu.dma_semaphore, #tpu.memory_space<semaphore_mem>>) src(%arg5 : memref<160x128xf32, #tpu.memory_space<hbm>>) dst(%dma_wait3A_94 : memref<160x128xf32, #tpu.memory_space<vmem_shared>>)
      tpu.yield
    }) : () -> ()
    %add3A_7 = arith.constant 320 : i32
    %add3A_8 = arith.addi %mul3A_2, %add3A_7 : i32
    "tpu.region"() ({
      %run_scoped3A = tpu.sem_alloc : memref<!tpu.dma_semaphore, #tpu.memory_space<semaphore_mem>>
      %dma_start3A_91 = arith.constant 0 : i32
      %dma_start3A_92 = tpu.memref_slice %arg7[%add3A_8, %dma_start3A_91] : memref<10240x128xf32, #tpu.memory_space<vmem_shared>> -> memref<160x128xf32, #tpu.memory_space<vmem_shared>>
      tpu.enqueue_dma source(%arg5 : memref<160x128xf32, #tpu.memory_space<hbm>>) target(%dma_start3A_92 : memref<160x128xf32, #tpu.memory_space<vmem_shared>>) target_semaphore(%run_scoped3A : memref<!tpu.dma_semaphore, #tpu.memory_space<semaphore_mem>>)
      %dma_wait3A_93 = arith.constant 0 : i32
      %dma_wait3A_94 = tpu.memref_slice %arg7[%add3A_8, %dma_wait3A_93] : memref<10240x128xf32, #tpu.memory_space<vmem_shared>> -> memref<160x128xf32, #tpu.memory_space<vmem_shared>>
      tpu.wait_dma2 semaphore(%run_scoped3A : memref<!tpu.dma_semaphore, #tpu.memory_space<semaphore_mem>>) src(%arg5 : memref<160x128xf32, #tpu.memory_space<hbm>>) dst(%dma_wait3A_94 : memref<160x128xf32, #tpu.memory_space<vmem_shared>>)
      tpu.yield
    }) : () -> ()
    %add3A_9 = arith.constant 480 : i32
    %add3A_10 = arith.addi %mul3A_2, %add3A_9 : i32
    "tpu.region"() ({
      %run_scoped3A = tpu.sem_alloc : memref<!tpu.dma_semaphore, #tpu.memory_space<semaphore_mem>>
      %dma_start3A_91 = arith.constant 0 : i32
      %dma_start3A_92 = tpu.memref_slice %arg7[%add3A_10, %dma_start3A_91] : memref<10240x128xf32, #tpu.memory_space<vmem_shared>> -> memref<160x128xf32, #tpu.memory_space<vmem_shared>>
      tpu.enqueue_dma source(%arg5 : memref<160x128xf32, #tpu.memory_space<hbm>>) target(%dma_start3A_92 : memref<160x128xf32, #tpu.memory_space<vmem_shared>>) target_semaphore(%run_scoped3A : memref<!tpu.dma_semaphore, #tpu.memory_space<semaphore_mem>>)
      %dma_wait3A_93 = arith.constant 0 : i32
      %dma_wait3A_94 = tpu.memref_slice %arg7[%add3A_10, %dma_wait3A_93] : memref<10240x128xf32, #tpu.memory_space<vmem_shared>> -> memref<160x128xf32, #tpu.memory_space<vmem_shared>>
      tpu.wait_dma2 semaphore(%run_scoped3A : memref<!tpu.dma_semaphore, #tpu.memory_space<semaphore_mem>>) src(%arg5 : memref<160x128xf32, #tpu.memory_space<hbm>>) dst(%dma_wait3A_94 : memref<160x128xf32, #tpu.memory_space<vmem_shared>>)
      tpu.yield
    }) : () -> ()
    "tpu.region"() ({
      %run_scoped3A = tpu.sem_alloc : memref<!tpu.dma_semaphore, #tpu.memory_space<semaphore_mem>>
      %dma_start3A_91 = arith.constant 0 : i32
      %dma_start3A_92 = arith.constant 0 : i32
      %dma_start3A_93 = tpu.memref_slice %arg4[%add3A, %dma_start3A_91, %dma_start3A_92] : memref<32x125x80xi32, #tpu.memory_space<hbm>> -> memref<1x125x80xi32, #tpu.memory_space<hbm>>
      %dma_start3A_94 = tpu.memref_squeeze %dma_start3A_93 : memref<1x125x80xi32, #tpu.memory_space<hbm>> -> memref<125x80xi32, #tpu.memory_space<hbm>>
      %dma_start3A_95 = arith.constant 0 : i32
      %dma_start3A_96 = arith.constant 0 : i32
      %dma_start3A_97 = tpu.memref_slice %arg4[%add3A, %dma_start3A_95, %dma_start3A_96] : memref<32x125x80xi32, #tpu.memory_space<hbm>> -> memref<1x125x80xi32, #tpu.memory_space<hbm>>
      %dma_start3A_98 = tpu.memref_squeeze %dma_start3A_97 : memref<1x125x80xi32, #tpu.memory_space<hbm>> -> memref<125x80xi32, #tpu.memory_space<hbm>>
      tpu.enqueue_dma source(%dma_start3A_98 : memref<125x80xi32, #tpu.memory_space<hbm>>) target(%arg8 : memref<125x80xi32, #tpu.memory_space<vmem>>) target_semaphore(%run_scoped3A : memref<!tpu.dma_semaphore, #tpu.memory_space<semaphore_mem>>)
      %dma_wait3A_99 = arith.constant 0 : i32
      %dma_wait3A_100 = arith.constant 0 : i32
      %dma_wait3A_101 = tpu.memref_slice %arg4[%add3A, %dma_wait3A_99, %dma_wait3A_100] : memref<32x125x80xi32, #tpu.memory_space<hbm>> -> memref<1x125x80xi32, #tpu.memory_space<hbm>>
      %dma_wait3A_102 = tpu.memref_squeeze %dma_wait3A_101 : memref<1x125x80xi32, #tpu.memory_space<hbm>> -> memref<125x80xi32, #tpu.memory_space<hbm>>
      %dma_wait3A_103 = arith.constant 0 : i32
      %dma_wait3A_104 = arith.constant 0 : i32
      %dma_wait3A_105 = tpu.memref_slice %arg4[%add3A, %dma_wait3A_103, %dma_wait3A_104] : memref<32x125x80xi32, #tpu.memory_space<hbm>> -> memref<1x125x80xi32, #tpu.memory_space<hbm>>
      %dma_wait3A_106 = tpu.memref_squeeze %dma_wait3A_105 : memref<1x125x80xi32, #tpu.memory_space<hbm>> -> memref<125x80xi32, #tpu.memory_space<hbm>>
      tpu.wait_dma2 semaphore(%run_scoped3A : memref<!tpu.dma_semaphore, #tpu.memory_space<semaphore_mem>>) src(%dma_wait3A_106 : memref<125x80xi32, #tpu.memory_space<hbm>>) dst(%arg8 : memref<125x80xi32, #tpu.memory_space<vmem>>)
      tpu.yield
    }) : () -> ()
    %barrier3A = arith.constant 0 : index
    tpu.barrier barrier_id(%barrier3A)
    %dma_start3A = arith.constant 0 : i32
    %dma_start3A_11 = arith.constant 0 : i32
    %dma_start3A_12 = tpu.memref_slice %arg3[%add3A, %dma_start3A, %dma_start3A_11] : memref<32x125x80xi32, #tpu.memory_space<hbm>> -> memref<1x1x80xi32, #tpu.memory_space<hbm>>
    %dma_start3A_13 = tpu.memref_squeeze %dma_start3A_12 : memref<1x1x80xi32, #tpu.memory_space<hbm>> -> memref<80xi32, #tpu.memory_space<hbm>>
    %dma_start3A_14 = arith.constant 0 : i32
    %dma_start3A_15 = tpu.memref_slice %arg3[%add3A, %dma_start3A, %dma_start3A_14] : memref<32x125x80xi32, #tpu.memory_space<hbm>> -> memref<1x1x80xi32, #tpu.memory_space<hbm>>
    %dma_start3A_16 = tpu.memref_squeeze %dma_start3A_15 : memref<1x1x80xi32, #tpu.memory_space<hbm>> -> memref<80xi32, #tpu.memory_space<hbm>>
    tpu.enqueue_dma source(%dma_start3A_16 : memref<80xi32, #tpu.memory_space<hbm>>) target(%arg12 : memref<80xi32, #tpu.memory_space<vmem>>) target_semaphore(%arg18 : memref<!tpu.dma_semaphore, #tpu.memory_space<semaphore_mem>>)
    %dma_start3A_17 = arith.constant 1 : i32
    %dma_start3A_18 = arith.constant 0 : i32
    %dma_start3A_19 = tpu.memref_slice %arg3[%add3A, %dma_start3A_17, %dma_start3A_18] : memref<32x125x80xi32, #tpu.memory_space<hbm>> -> memref<1x1x80xi32, #tpu.memory_space<hbm>>
    %dma_start3A_20 = tpu.memref_squeeze %dma_start3A_19 : memref<1x1x80xi32, #tpu.memory_space<hbm>> -> memref<80xi32, #tpu.memory_space<hbm>>
    %dma_start3A_21 = arith.constant 0 : i32
    %dma_start3A_22 = tpu.memref_slice %arg3[%add3A, %dma_start3A_17, %dma_start3A_21] : memref<32x125x80xi32, #tpu.memory_space<hbm>> -> memref<1x1x80xi32, #tpu.memory_space<hbm>>
    %dma_start3A_23 = tpu.memref_squeeze %dma_start3A_22 : memref<1x1x80xi32, #tpu.memory_space<hbm>> -> memref<80xi32, #tpu.memory_space<hbm>>
    tpu.enqueue_dma source(%dma_start3A_23 : memref<80xi32, #tpu.memory_space<hbm>>) target(%arg13 : memref<80xi32, #tpu.memory_space<vmem>>) target_semaphore(%arg19 : memref<!tpu.dma_semaphore, #tpu.memory_space<semaphore_mem>>)
    %dma_start3A_24 = arith.constant 2 : i32
    %dma_start3A_25 = arith.constant 0 : i32
    %dma_start3A_26 = tpu.memref_slice %arg3[%add3A, %dma_start3A_24, %dma_start3A_25] : memref<32x125x80xi32, #tpu.memory_space<hbm>> -> memref<1x1x80xi32, #tpu.memory_space<hbm>>
    %dma_start3A_27 = tpu.memref_squeeze %dma_start3A_26 : memref<1x1x80xi32, #tpu.memory_space<hbm>> -> memref<80xi32, #tpu.memory_space<hbm>>
    %dma_start3A_28 = arith.constant 0 : i32
    %dma_start3A_29 = tpu.memref_slice %arg3[%add3A, %dma_start3A_24, %dma_start3A_28] : memref<32x125x80xi32, #tpu.memory_space<hbm>> -> memref<1x1x80xi32, #tpu.memory_space<hbm>>
    %dma_start3A_30 = tpu.memref_squeeze %dma_start3A_29 : memref<1x1x80xi32, #tpu.memory_space<hbm>> -> memref<80xi32, #tpu.memory_space<hbm>>
    tpu.enqueue_dma source(%dma_start3A_30 : memref<80xi32, #tpu.memory_space<hbm>>) target(%arg14 : memref<80xi32, #tpu.memory_space<vmem>>) target_semaphore(%arg20 : memref<!tpu.dma_semaphore, #tpu.memory_space<semaphore_mem>>)
    %dma_start3A_31 = arith.constant 0 : i32
    %dma_start3A_32 = arith.constant 0 : i32
    %dma_start3A_33 = tpu.memref_slice %arg8[%dma_start3A_31, %dma_start3A_32] : memref<125x80xi32, #tpu.memory_space<vmem>> -> memref<1x80xi32, #tpu.memory_space<vmem>>
    %dma_start3A_34 = tpu.memref_squeeze %dma_start3A_33 : memref<1x80xi32, #tpu.memory_space<vmem>> -> memref<80xi32, #tpu.memory_space<vmem>>
    %dma_start3A_35 = arith.constant 0 : i32
    %dma_start3A_36 = arith.constant 0 : i32
    %dma_start3A_37 = tpu.memref_slice %arg2[%dma_start3A_35, %dma_start3A_36] : memref<10000x128xf32, #tpu.memory_space<hbm>> -> memref<10000x128xf32, #tpu.memory_space<hbm>>
    tpu.enqueue_indirect_dma source(%dma_start3A_37 : memref<10000x128xf32, #tpu.memory_space<hbm>>) target(%arg9 : memref<80x128xf32, #tpu.memory_space<vmem>>) offsets(%dma_start3A_34 : memref<80xi32, #tpu.memory_space<vmem>>) semaphore(%arg15 : memref<!tpu.dma_semaphore, #tpu.memory_space<semaphore_mem>>)
    %dma_start3A_38 = arith.constant 1 : i32
    %dma_start3A_39 = arith.constant 0 : i32
    %dma_start3A_40 = tpu.memref_slice %arg8[%dma_start3A_38, %dma_start3A_39] : memref<125x80xi32, #tpu.memory_space<vmem>> -> memref<1x80xi32, #tpu.memory_space<vmem>>
    %dma_start3A_41 = tpu.memref_squeeze %dma_start3A_40 : memref<1x80xi32, #tpu.memory_space<vmem>> -> memref<80xi32, #tpu.memory_space<vmem>>
    %dma_start3A_42 = arith.constant 0 : i32
    %dma_start3A_43 = arith.constant 0 : i32
    %dma_start3A_44 = tpu.memref_slice %arg2[%dma_start3A_42, %dma_start3A_43] : memref<10000x128xf32, #tpu.memory_space<hbm>> -> memref<10000x128xf32, #tpu.memory_space<hbm>>
    tpu.enqueue_indirect_dma source(%dma_start3A_44 : memref<10000x128xf32, #tpu.memory_space<hbm>>) target(%arg10 : memref<80x128xf32, #tpu.memory_space<vmem>>) offsets(%dma_start3A_41 : memref<80xi32, #tpu.memory_space<vmem>>) semaphore(%arg16 : memref<!tpu.dma_semaphore, #tpu.memory_space<semaphore_mem>>)
    %dma_start3A_45 = arith.constant 2 : i32
    %dma_start3A_46 = arith.constant 0 : i32
    %dma_start3A_47 = tpu.memref_slice %arg8[%dma_start3A_45, %dma_start3A_46] : memref<125x80xi32, #tpu.memory_space<vmem>> -> memref<1x80xi32, #tpu.memory_space<vmem>>
    %dma_start3A_48 = tpu.memref_squeeze %dma_start3A_47 : memref<1x80xi32, #tpu.memory_space<vmem>> -> memref<80xi32, #tpu.memory_space<vmem>>
    %dma_start3A_49 = arith.constant 0 : i32
    %dma_start3A_50 = arith.constant 0 : i32
    %dma_start3A_51 = tpu.memref_slice %arg2[%dma_start3A_49, %dma_start3A_50] : memref<10000x128xf32, #tpu.memory_space<hbm>> -> memref<10000x128xf32, #tpu.memory_space<hbm>>
    tpu.enqueue_indirect_dma source(%dma_start3A_51 : memref<10000x128xf32, #tpu.memory_space<hbm>>) target(%arg11 : memref<80x128xf32, #tpu.memory_space<vmem>>) offsets(%dma_start3A_48 : memref<80xi32, #tpu.memory_space<vmem>>) semaphore(%arg17 : memref<!tpu.dma_semaphore, #tpu.memory_space<semaphore_mem>>)
    %scan3A = arith.constant 0 : i32
    %scan3A_52 = arith.constant 0 : i32
    %scan3A_53 = arith.constant 0 : i32
    %scan3A_54 = arith.constant 1 : i32
    %scan3A_55 = arith.constant 1 : i32
    %scan3A_56 = arith.constant 2 : i32
    %scan3A_57 = arith.constant 2 : i32
    %scan3A_58 = arith.constant 0 : i32
    %scan3A_59 = arith.constant 41 : i32
    %scan3A_60 = arith.addi %scan3A_58, %scan3A_59 : i32
    %scan3A_61 = arith.constant 1 : i32
    scf.for %scan3A_91 = %scan3A_58 to %scan3A_60 step %scan3A_61  : i32 {
      %mul3A_92 = arith.constant 3 : i32
      %mul3A_93 = arith.muli %mul3A_92, %scan3A_91 : i32
      %dma_wait3A_94 = arith.constant 0 : i32
      %dma_wait3A_95 = tpu.memref_slice %arg8[%scan3A_52, %dma_wait3A_94] : memref<125x80xi32, #tpu.memory_space<vmem>> -> memref<1x80xi32, #tpu.memory_space<vmem>>
      %dma_wait3A_96 = tpu.memref_squeeze %dma_wait3A_95 : memref<1x80xi32, #tpu.memory_space<vmem>> -> memref<80xi32, #tpu.memory_space<vmem>>
      %dma_wait3A_97 = arith.constant 0 : i32
      %dma_wait3A_98 = arith.constant 0 : i32
      %dma_wait3A_99 = tpu.memref_slice %arg2[%dma_wait3A_97, %dma_wait3A_98] : memref<10000x128xf32, #tpu.memory_space<hbm>> -> memref<10000x128xf32, #tpu.memory_space<hbm>>
      tpu.wait_indirect_dma semaphore(%arg15 : memref<!tpu.dma_semaphore, #tpu.memory_space<semaphore_mem>>) src(%dma_wait3A_99 : memref<10000x128xf32, #tpu.memory_space<hbm>>) dst(%arg9 : memref<80x128xf32, #tpu.memory_space<vmem>>)
      %dma_wait3A_100 = arith.constant 0 : i32
      %dma_wait3A_101 = tpu.memref_slice %arg3[%add3A, %scan3A_53, %dma_wait3A_100] : memref<32x125x80xi32, #tpu.memory_space<hbm>> -> memref<1x1x80xi32, #tpu.memory_space<hbm>>
      %dma_wait3A_102 = tpu.memref_squeeze %dma_wait3A_101 : memref<1x1x80xi32, #tpu.memory_space<hbm>> -> memref<80xi32, #tpu.memory_space<hbm>>
      %dma_wait3A_103 = arith.constant 0 : i32
      %dma_wait3A_104 = tpu.memref_slice %arg3[%add3A, %scan3A_53, %dma_wait3A_103] : memref<32x125x80xi32, #tpu.memory_space<hbm>> -> memref<1x1x80xi32, #tpu.memory_space<hbm>>
      %dma_wait3A_105 = tpu.memref_squeeze %dma_wait3A_104 : memref<1x1x80xi32, #tpu.memory_space<hbm>> -> memref<80xi32, #tpu.memory_space<hbm>>
      tpu.wait_dma2 semaphore(%arg18 : memref<!tpu.dma_semaphore, #tpu.memory_space<semaphore_mem>>) src(%dma_wait3A_105 : memref<80xi32, #tpu.memory_space<hbm>>) dst(%arg12 : memref<80xi32, #tpu.memory_space<vmem>>)
      "tpu.region"() ({
        %run_scoped3A = tpu.sem_alloc : memref<!tpu.dma_semaphore, #tpu.memory_space<semaphore_mem>>
        %dma_start3A_168 = arith.constant 0 : i32
        %dma_start3A_169 = arith.constant 0 : i32
        %dma_start3A_170 = tpu.memref_slice %arg7[%dma_start3A_168, %dma_start3A_169] : memref<10240x128xf32, #tpu.memory_space<vmem_shared>> -> memref<10240x128xf32, #tpu.memory_space<vmem_shared>>
        tpu.enqueue_indirect_dma source(%arg9 : memref<80x128xf32, #tpu.memory_space<vmem>>) target(%dma_start3A_170 : memref<10240x128xf32, #tpu.memory_space<vmem_shared>>) offsets(%arg12 : memref<80xi32, #tpu.memory_space<vmem>>) semaphore(%run_scoped3A : memref<!tpu.dma_semaphore, #tpu.memory_space<semaphore_mem>>) {add = true}
        %dma_wait3A_171 = arith.constant 0 : i32
        %dma_wait3A_172 = arith.constant 0 : i32
        %dma_wait3A_173 = tpu.memref_slice %arg7[%dma_wait3A_171, %dma_wait3A_172] : memref<10240x128xf32, #tpu.memory_space<vmem_shared>> -> memref<10240x128xf32, #tpu.memory_space<vmem_shared>>
        tpu.wait_indirect_dma semaphore(%run_scoped3A : memref<!tpu.dma_semaphore, #tpu.memory_space<semaphore_mem>>) src(%arg9 : memref<80x128xf32, #tpu.memory_space<vmem>>) dst(%dma_wait3A_173 : memref<10240x128xf32, #tpu.memory_space<vmem_shared>>)
        tpu.yield
      }) : () -> ()
      %add3A_106 = arith.constant 0 : i32
      %add3A_107 = arith.addi %mul3A_93, %add3A_106 : i32
      %add3A_108 = arith.constant 3 : i32
      %add3A_109 = arith.addi %add3A_107, %add3A_108 : i32
      %dma_start3A_110 = arith.constant 0 : i32
      %dma_start3A_111 = tpu.memref_slice %arg8[%add3A_109, %dma_start3A_110] : memref<125x80xi32, #tpu.memory_space<vmem>> -> memref<1x80xi32, #tpu.memory_space<vmem>>
      %dma_start3A_112 = tpu.memref_squeeze %dma_start3A_111 : memref<1x80xi32, #tpu.memory_space<vmem>> -> memref<80xi32, #tpu.memory_space<vmem>>
      %dma_start3A_113 = arith.constant 0 : i32
      %dma_start3A_114 = arith.constant 0 : i32
      %dma_start3A_115 = tpu.memref_slice %arg2[%dma_start3A_113, %dma_start3A_114] : memref<10000x128xf32, #tpu.memory_space<hbm>> -> memref<10000x128xf32, #tpu.memory_space<hbm>>
      tpu.enqueue_indirect_dma source(%dma_start3A_115 : memref<10000x128xf32, #tpu.memory_space<hbm>>) target(%arg9 : memref<80x128xf32, #tpu.memory_space<vmem>>) offsets(%dma_start3A_112 : memref<80xi32, #tpu.memory_space<vmem>>) semaphore(%arg15 : memref<!tpu.dma_semaphore, #tpu.memory_space<semaphore_mem>>)
      %dma_start3A_116 = arith.constant 0 : i32
      %dma_start3A_117 = tpu.memref_slice %arg3[%add3A, %add3A_109, %dma_start3A_116] : memref<32x125x80xi32, #tpu.memory_space<hbm>> -> memref<1x1x80xi32, #tpu.memory_space<hbm>>
      %dma_start3A_118 = tpu.memref_squeeze %dma_start3A_117 : memref<1x1x80xi32, #tpu.memory_space<hbm>> -> memref<80xi32, #tpu.memory_space<hbm>>
      %dma_start3A_119 = arith.constant 0 : i32
      %dma_start3A_120 = tpu.memref_slice %arg3[%add3A, %add3A_109, %dma_start3A_119] : memref<32x125x80xi32, #tpu.memory_space<hbm>> -> memref<1x1x80xi32, #tpu.memory_space<hbm>>
      %dma_start3A_121 = tpu.memref_squeeze %dma_start3A_120 : memref<1x1x80xi32, #tpu.memory_space<hbm>> -> memref<80xi32, #tpu.memory_space<hbm>>
      tpu.enqueue_dma source(%dma_start3A_121 : memref<80xi32, #tpu.memory_space<hbm>>) target(%arg12 : memref<80xi32, #tpu.memory_space<vmem>>) target_semaphore(%arg18 : memref<!tpu.dma_semaphore, #tpu.memory_space<semaphore_mem>>)
      %dma_wait3A_122 = arith.constant 0 : i32
      %dma_wait3A_123 = tpu.memref_slice %arg8[%scan3A_54, %dma_wait3A_122] : memref<125x80xi32, #tpu.memory_space<vmem>> -> memref<1x80xi32, #tpu.memory_space<vmem>>
      %dma_wait3A_124 = tpu.memref_squeeze %dma_wait3A_123 : memref<1x80xi32, #tpu.memory_space<vmem>> -> memref<80xi32, #tpu.memory_space<vmem>>
      %dma_wait3A_125 = arith.constant 0 : i32
      %dma_wait3A_126 = arith.constant 0 : i32
      %dma_wait3A_127 = tpu.memref_slice %arg2[%dma_wait3A_125, %dma_wait3A_126] : memref<10000x128xf32, #tpu.memory_space<hbm>> -> memref<10000x128xf32, #tpu.memory_space<hbm>>
      tpu.wait_indirect_dma semaphore(%arg16 : memref<!tpu.dma_semaphore, #tpu.memory_space<semaphore_mem>>) src(%dma_wait3A_127 : memref<10000x128xf32, #tpu.memory_space<hbm>>) dst(%arg10 : memref<80x128xf32, #tpu.memory_space<vmem>>)
      %dma_wait3A_128 = arith.constant 0 : i32
      %dma_wait3A_129 = tpu.memref_slice %arg3[%add3A, %scan3A_55, %dma_wait3A_128] : memref<32x125x80xi32, #tpu.memory_space<hbm>> -> memref<1x1x80xi32, #tpu.memory_space<hbm>>
      %dma_wait3A_130 = tpu.memref_squeeze %dma_wait3A_129 : memref<1x1x80xi32, #tpu.memory_space<hbm>> -> memref<80xi32, #tpu.memory_space<hbm>>
      %dma_wait3A_131 = arith.constant 0 : i32
      %dma_wait3A_132 = tpu.memref_slice %arg3[%add3A, %scan3A_55, %dma_wait3A_131] : memref<32x125x80xi32, #tpu.memory_space<hbm>> -> memref<1x1x80xi32, #tpu.memory_space<hbm>>
      %dma_wait3A_133 = tpu.memref_squeeze %dma_wait3A_132 : memref<1x1x80xi32, #tpu.memory_space<hbm>> -> memref<80xi32, #tpu.memory_space<hbm>>
      tpu.wait_dma2 semaphore(%arg19 : memref<!tpu.dma_semaphore, #tpu.memory_space<semaphore_mem>>) src(%dma_wait3A_133 : memref<80xi32, #tpu.memory_space<hbm>>) dst(%arg13 : memref<80xi32, #tpu.memory_space<vmem>>)
      "tpu.region"() ({
        %run_scoped3A = tpu.sem_alloc : memref<!tpu.dma_semaphore, #tpu.memory_space<semaphore_mem>>
        %dma_start3A_168 = arith.constant 0 : i32
        %dma_start3A_169 = arith.constant 0 : i32
        %dma_start3A_170 = tpu.memref_slice %arg7[%dma_start3A_168, %dma_start3A_169] : memref<10240x128xf32, #tpu.memory_space<vmem_shared>> -> memref<10240x128xf32, #tpu.memory_space<vmem_shared>>
        tpu.enqueue_indirect_dma source(%arg10 : memref<80x128xf32, #tpu.memory_space<vmem>>) target(%dma_start3A_170 : memref<10240x128xf32, #tpu.memory_space<vmem_shared>>) offsets(%arg13 : memref<80xi32, #tpu.memory_space<vmem>>) semaphore(%run_scoped3A : memref<!tpu.dma_semaphore, #tpu.memory_space<semaphore_mem>>) {add = true}
        %dma_wait3A_171 = arith.constant 0 : i32
        %dma_wait3A_172 = arith.constant 0 : i32
        %dma_wait3A_173 = tpu.memref_slice %arg7[%dma_wait3A_171, %dma_wait3A_172] : memref<10240x128xf32, #tpu.memory_space<vmem_shared>> -> memref<10240x128xf32, #tpu.memory_space<vmem_shared>>
        tpu.wait_indirect_dma semaphore(%run_scoped3A : memref<!tpu.dma_semaphore, #tpu.memory_space<semaphore_mem>>) src(%arg10 : memref<80x128xf32, #tpu.memory_space<vmem>>) dst(%dma_wait3A_173 : memref<10240x128xf32, #tpu.memory_space<vmem_shared>>)
        tpu.yield
      }) : () -> ()
      %add3A_134 = arith.constant 1 : i32
      %add3A_135 = arith.addi %mul3A_93, %add3A_134 : i32
      %add3A_136 = arith.constant 3 : i32
      %add3A_137 = arith.addi %add3A_135, %add3A_136 : i32
      %dma_start3A_138 = arith.constant 0 : i32
      %dma_start3A_139 = tpu.memref_slice %arg8[%add3A_137, %dma_start3A_138] : memref<125x80xi32, #tpu.memory_space<vmem>> -> memref<1x80xi32, #tpu.memory_space<vmem>>
      %dma_start3A_140 = tpu.memref_squeeze %dma_start3A_139 : memref<1x80xi32, #tpu.memory_space<vmem>> -> memref<80xi32, #tpu.memory_space<vmem>>
      %dma_start3A_141 = arith.constant 0 : i32
      %dma_start3A_142 = arith.constant 0 : i32
      %dma_start3A_143 = tpu.memref_slice %arg2[%dma_start3A_141, %dma_start3A_142] : memref<10000x128xf32, #tpu.memory_space<hbm>> -> memref<10000x128xf32, #tpu.memory_space<hbm>>
      tpu.enqueue_indirect_dma source(%dma_start3A_143 : memref<10000x128xf32, #tpu.memory_space<hbm>>) target(%arg10 : memref<80x128xf32, #tpu.memory_space<vmem>>) offsets(%dma_start3A_140 : memref<80xi32, #tpu.memory_space<vmem>>) semaphore(%arg16 : memref<!tpu.dma_semaphore, #tpu.memory_space<semaphore_mem>>)
      %dma_start3A_144 = arith.constant 0 : i32
      %dma_start3A_145 = tpu.memref_slice %arg3[%add3A, %add3A_137, %dma_start3A_144] : memref<32x125x80xi32, #tpu.memory_space<hbm>> -> memref<1x1x80xi32, #tpu.memory_space<hbm>>
      %dma_start3A_146 = tpu.memref_squeeze %dma_start3A_145 : memref<1x1x80xi32, #tpu.memory_space<hbm>> -> memref<80xi32, #tpu.memory_space<hbm>>
      %dma_start3A_147 = arith.constant 0 : i32
      %dma_start3A_148 = tpu.memref_slice %arg3[%add3A, %add3A_137, %dma_start3A_147] : memref<32x125x80xi32, #tpu.memory_space<hbm>> -> memref<1x1x80xi32, #tpu.memory_space<hbm>>
      %dma_start3A_149 = tpu.memref_squeeze %dma_start3A_148 : memref<1x1x80xi32, #tpu.memory_space<hbm>> -> memref<80xi32, #tpu.memory_space<hbm>>
      tpu.enqueue_dma source(%dma_start3A_149 : memref<80xi32, #tpu.memory_space<hbm>>) target(%arg13 : memref<80xi32, #tpu.memory_space<vmem>>) target_semaphore(%arg19 : memref<!tpu.dma_semaphore, #tpu.memory_space<semaphore_mem>>)
      %dma_wait3A_150 = arith.constant 0 : i32
      %dma_wait3A_151 = tpu.memref_slice %arg8[%scan3A_56, %dma_wait3A_150] : memref<125x80xi32, #tpu.memory_space<vmem>> -> memref<1x80xi32, #tpu.memory_space<vmem>>
      %dma_wait3A_152 = tpu.memref_squeeze %dma_wait3A_151 : memref<1x80xi32, #tpu.memory_space<vmem>> -> memref<80xi32, #tpu.memory_space<vmem>>
      %dma_wait3A_153 = arith.constant 0 : i32
      %dma_wait3A_154 = arith.constant 0 : i32
      %dma_wait3A_155 = tpu.memref_slice %arg2[%dma_wait3A_153, %dma_wait3A_154] : memref<10000x128xf32, #tpu.memory_space<hbm>> -> memref<10000x128xf32, #tpu.memory_space<hbm>>
      tpu.wait_indirect_dma semaphore(%arg17 : memref<!tpu.dma_semaphore, #tpu.memory_space<semaphore_mem>>) src(%dma_wait3A_155 : memref<10000x128xf32, #tpu.memory_space<hbm>>) dst(%arg11 : memref<80x128xf32, #tpu.memory_space<vmem>>)
      %dma_wait3A_156 = arith.constant 0 : i32
      %dma_wait3A_157 = tpu.memref_slice %arg3[%add3A, %scan3A_57, %dma_wait3A_156] : memref<32x125x80xi32, #tpu.memory_space<hbm>> -> memref<1x1x80xi32, #tpu.memory_space<hbm>>
      %dma_wait3A_158 = tpu.memref_squeeze %dma_wait3A_157 : memref<1x1x80xi32, #tpu.memory_space<hbm>> -> memref<80xi32, #tpu.memory_space<hbm>>
      %dma_wait3A_159 = arith.constant 0 : i32
      %dma_wait3A_160 = tpu.memref_slice %arg3[%add3A, %scan3A_57, %dma_wait3A_159] : memref<32x125x80xi32, #tpu.memory_space<hbm>> -> memref<1x1x80xi32, #tpu.memory_space<hbm>>
      %dma_wait3A_161 = tpu.memref_squeeze %dma_wait3A_160 : memref<1x1x80xi32, #tpu.memory_space<hbm>> -> memref<80xi32, #tpu.memory_space<hbm>>
      tpu.wait_dma2 semaphore(%arg20 : memref<!tpu.dma_semaphore, #tpu.memory_space<semaphore_mem>>) src(%dma_wait3A_161 : memref<80xi32, #tpu.memory_space<hbm>>) dst(%arg14 : memref<80xi32, #tpu.memory_space<vmem>>)
      "tpu.region"() ({
        %run_scoped3A = tpu.sem_alloc : memref<!tpu.dma_semaphore, #tpu.memory_space<semaphore_mem>>
        %dma_start3A_168 = arith.constant 0 : i32
        %dma_start3A_169 = arith.constant 0 : i32
        %dma_start3A_170 = tpu.memref_slice %arg7[%dma_start3A_168, %dma_start3A_169] : memref<10240x128xf32, #tpu.memory_space<vmem_shared>> -> memref<10240x128xf32, #tpu.memory_space<vmem_shared>>
        tpu.enqueue_indirect_dma source(%arg11 : memref<80x128xf32, #tpu.memory_space<vmem>>) target(%dma_start3A_170 : memref<10240x128xf32, #tpu.memory_space<vmem_shared>>) offsets(%arg14 : memref<80xi32, #tpu.memory_space<vmem>>) semaphore(%run_scoped3A : memref<!tpu.dma_semaphore, #tpu.memory_space<semaphore_mem>>) {add = true}
        %dma_wait3A_171 = arith.constant 0 : i32
        %dma_wait3A_172 = arith.constant 0 : i32
        %dma_wait3A_173 = tpu.memref_slice %arg7[%dma_wait3A_171, %dma_wait3A_172] : memref<10240x128xf32, #tpu.memory_space<vmem_shared>> -> memref<10240x128xf32, #tpu.memory_space<vmem_shared>>
        tpu.wait_indirect_dma semaphore(%run_scoped3A : memref<!tpu.dma_semaphore, #tpu.memory_space<semaphore_mem>>) src(%arg11 : memref<80x128xf32, #tpu.memory_space<vmem>>) dst(%dma_wait3A_173 : memref<10240x128xf32, #tpu.memory_space<vmem_shared>>)
        tpu.yield
      }) : () -> ()
      %add3A_162 = arith.constant 2 : i32
      %add3A_163 = arith.addi %mul3A_93, %add3A_162 : i32
      %add3A_164 = arith.constant 3 : i32
      %add3A_165 = arith.addi %add3A_163, %add3A_164 : i32
      %lt3A = arith.constant 125 : i32
      %lt3A_166 = arith.cmpi slt, %add3A_165, %lt3A : i32
      %convert_element_type3A = arith.extui %lt3A_166 : i1 to i32
      %cond3A = arith.constant 0 : i32
      %cond3A_167 = arith.cmpi ne, %convert_element_type3A, %cond3A : i32
      scf.if %cond3A_167 {
        %dma_start3A_168 = arith.constant 0 : i32
        %dma_start3A_169 = tpu.memref_slice %arg8[%add3A_165, %dma_start3A_168] : memref<125x80xi32, #tpu.memory_space<vmem>> -> memref<1x80xi32, #tpu.memory_space<vmem>>
        %dma_start3A_170 = tpu.memref_squeeze %dma_start3A_169 : memref<1x80xi32, #tpu.memory_space<vmem>> -> memref<80xi32, #tpu.memory_space<vmem>>
        %dma_start3A_171 = arith.constant 0 : i32
        %dma_start3A_172 = arith.constant 0 : i32
        %dma_start3A_173 = tpu.memref_slice %arg2[%dma_start3A_171, %dma_start3A_172] : memref<10000x128xf32, #tpu.memory_space<hbm>> -> memref<10000x128xf32, #tpu.memory_space<hbm>>
        tpu.enqueue_indirect_dma source(%dma_start3A_173 : memref<10000x128xf32, #tpu.memory_space<hbm>>) target(%arg11 : memref<80x128xf32, #tpu.memory_space<vmem>>) offsets(%dma_start3A_170 : memref<80xi32, #tpu.memory_space<vmem>>) semaphore(%arg17 : memref<!tpu.dma_semaphore, #tpu.memory_space<semaphore_mem>>)
        %dma_start3A_174 = arith.constant 0 : i32
        %dma_start3A_175 = tpu.memref_slice %arg3[%add3A, %add3A_165, %dma_start3A_174] : memref<32x125x80xi32, #tpu.memory_space<hbm>> -> memref<1x1x80xi32, #tpu.memory_space<hbm>>
        %dma_start3A_176 = tpu.memref_squeeze %dma_start3A_175 : memref<1x1x80xi32, #tpu.memory_space<hbm>> -> memref<80xi32, #tpu.memory_space<hbm>>
        %dma_start3A_177 = arith.constant 0 : i32
        %dma_start3A_178 = tpu.memref_slice %arg3[%add3A, %add3A_165, %dma_start3A_177] : memref<32x125x80xi32, #tpu.memory_space<hbm>> -> memref<1x1x80xi32, #tpu.memory_space<hbm>>
        %dma_start3A_179 = tpu.memref_squeeze %dma_start3A_178 : memref<1x1x80xi32, #tpu.memory_space<hbm>> -> memref<80xi32, #tpu.memory_space<hbm>>
        tpu.enqueue_dma source(%dma_start3A_179 : memref<80xi32, #tpu.memory_space<hbm>>) target(%arg14 : memref<80xi32, #tpu.memory_space<vmem>>) target_semaphore(%arg20 : memref<!tpu.dma_semaphore, #tpu.memory_space<semaphore_mem>>)
      } else {
      }
    }
    %scan3A_62 = arith.constant 41 : i32
    %dma_wait3A = arith.constant 0 : i32
    %dma_wait3A_63 = arith.constant 0 : i32
    %dma_wait3A_64 = tpu.memref_slice %arg8[%dma_wait3A, %dma_wait3A_63] : memref<125x80xi32, #tpu.memory_space<vmem>> -> memref<1x80xi32, #tpu.memory_space<vmem>>
    %dma_wait3A_65 = tpu.memref_squeeze %dma_wait3A_64 : memref<1x80xi32, #tpu.memory_space<vmem>> -> memref<80xi32, #tpu.memory_space<vmem>>
    %dma_wait3A_66 = arith.constant 0 : i32
    %dma_wait3A_67 = arith.constant 0 : i32
    %dma_wait3A_68 = tpu.memref_slice %arg2[%dma_wait3A_66, %dma_wait3A_67] : memref<10000x128xf32, #tpu.memory_space<hbm>> -> memref<10000x128xf32, #tpu.memory_space<hbm>>
    tpu.wait_indirect_dma semaphore(%arg15 : memref<!tpu.dma_semaphore, #tpu.memory_space<semaphore_mem>>) src(%dma_wait3A_68 : memref<10000x128xf32, #tpu.memory_space<hbm>>) dst(%arg9 : memref<80x128xf32, #tpu.memory_space<vmem>>)
    %dma_wait3A_69 = arith.constant 0 : i32
    %dma_wait3A_70 = arith.constant 0 : i32
    %dma_wait3A_71 = tpu.memref_slice %arg3[%add3A, %dma_wait3A_69, %dma_wait3A_70] : memref<32x125x80xi32, #tpu.memory_space<hbm>> -> memref<1x1x80xi32, #tpu.memory_space<hbm>>
    %dma_wait3A_72 = tpu.memref_squeeze %dma_wait3A_71 : memref<1x1x80xi32, #tpu.memory_space<hbm>> -> memref<80xi32, #tpu.memory_space<hbm>>
    %dma_wait3A_73 = arith.constant 0 : i32
    %dma_wait3A_74 = tpu.memref_slice %arg3[%add3A, %dma_wait3A_69, %dma_wait3A_73] : memref<32x125x80xi32, #tpu.memory_space<hbm>> -> memref<1x1x80xi32, #tpu.memory_space<hbm>>
    %dma_wait3A_75 = tpu.memref_squeeze %dma_wait3A_74 : memref<1x1x80xi32, #tpu.memory_space<hbm>> -> memref<80xi32, #tpu.memory_space<hbm>>
    tpu.wait_dma2 semaphore(%arg18 : memref<!tpu.dma_semaphore, #tpu.memory_space<semaphore_mem>>) src(%dma_wait3A_75 : memref<80xi32, #tpu.memory_space<hbm>>) dst(%arg12 : memref<80xi32, #tpu.memory_space<vmem>>)
    "tpu.region"() ({
      %run_scoped3A = tpu.sem_alloc : memref<!tpu.dma_semaphore, #tpu.memory_space<semaphore_mem>>
      %dma_start3A_91 = arith.constant 0 : i32
      %dma_start3A_92 = arith.constant 0 : i32
      %dma_start3A_93 = tpu.memref_slice %arg7[%dma_start3A_91, %dma_start3A_92] : memref<10240x128xf32, #tpu.memory_space<vmem_shared>> -> memref<10240x128xf32, #tpu.memory_space<vmem_shared>>
      tpu.enqueue_indirect_dma source(%arg9 : memref<80x128xf32, #tpu.memory_space<vmem>>) target(%dma_start3A_93 : memref<10240x128xf32, #tpu.memory_space<vmem_shared>>) offsets(%arg12 : memref<80xi32, #tpu.memory_space<vmem>>) semaphore(%run_scoped3A : memref<!tpu.dma_semaphore, #tpu.memory_space<semaphore_mem>>) {add = true}
      %dma_wait3A_94 = arith.constant 0 : i32
      %dma_wait3A_95 = arith.constant 0 : i32
      %dma_wait3A_96 = tpu.memref_slice %arg7[%dma_wait3A_94, %dma_wait3A_95] : memref<10240x128xf32, #tpu.memory_space<vmem_shared>> -> memref<10240x128xf32, #tpu.memory_space<vmem_shared>>
      tpu.wait_indirect_dma semaphore(%run_scoped3A : memref<!tpu.dma_semaphore, #tpu.memory_space<semaphore_mem>>) src(%arg9 : memref<80x128xf32, #tpu.memory_space<vmem>>) dst(%dma_wait3A_96 : memref<10240x128xf32, #tpu.memory_space<vmem_shared>>)
      tpu.yield
    }) : () -> ()
    %dma_wait3A_76 = arith.constant 1 : i32
    %dma_wait3A_77 = arith.constant 0 : i32
    %dma_wait3A_78 = tpu.memref_slice %arg8[%dma_wait3A_76, %dma_wait3A_77] : memref<125x80xi32, #tpu.memory_space<vmem>> -> memref<1x80xi32, #tpu.memory_space<vmem>>
    %dma_wait3A_79 = tpu.memref_squeeze %dma_wait3A_78 : memref<1x80xi32, #tpu.memory_space<vmem>> -> memref<80xi32, #tpu.memory_space<vmem>>
    %dma_wait3A_80 = arith.constant 0 : i32
    %dma_wait3A_81 = arith.constant 0 : i32
    %dma_wait3A_82 = tpu.memref_slice %arg2[%dma_wait3A_80, %dma_wait3A_81] : memref<10000x128xf32, #tpu.memory_space<hbm>> -> memref<10000x128xf32, #tpu.memory_space<hbm>>
    tpu.wait_indirect_dma semaphore(%arg16 : memref<!tpu.dma_semaphore, #tpu.memory_space<semaphore_mem>>) src(%dma_wait3A_82 : memref<10000x128xf32, #tpu.memory_space<hbm>>) dst(%arg10 : memref<80x128xf32, #tpu.memory_space<vmem>>)
    %dma_wait3A_83 = arith.constant 1 : i32
    %dma_wait3A_84 = arith.constant 0 : i32
    %dma_wait3A_85 = tpu.memref_slice %arg3[%add3A, %dma_wait3A_83, %dma_wait3A_84] : memref<32x125x80xi32, #tpu.memory_space<hbm>> -> memref<1x1x80xi32, #tpu.memory_space<hbm>>
    %dma_wait3A_86 = tpu.memref_squeeze %dma_wait3A_85 : memref<1x1x80xi32, #tpu.memory_space<hbm>> -> memref<80xi32, #tpu.memory_space<hbm>>
    %dma_wait3A_87 = arith.constant 0 : i32
    %dma_wait3A_88 = tpu.memref_slice %arg3[%add3A, %dma_wait3A_83, %dma_wait3A_87] : memref<32x125x80xi32, #tpu.memory_space<hbm>> -> memref<1x1x80xi32, #tpu.memory_space<hbm>>
    %dma_wait3A_89 = tpu.memref_squeeze %dma_wait3A_88 : memref<1x1x80xi32, #tpu.memory_space<hbm>> -> memref<80xi32, #tpu.memory_space<hbm>>
    tpu.wait_dma2 semaphore(%arg19 : memref<!tpu.dma_semaphore, #tpu.memory_space<semaphore_mem>>) src(%dma_wait3A_89 : memref<80xi32, #tpu.memory_space<hbm>>) dst(%arg13 : memref<80xi32, #tpu.memory_space<vmem>>)
    "tpu.region"() ({
      %run_scoped3A = tpu.sem_alloc : memref<!tpu.dma_semaphore, #tpu.memory_space<semaphore_mem>>
      %dma_start3A_91 = arith.constant 0 : i32
      %dma_start3A_92 = arith.constant 0 : i32
      %dma_start3A_93 = tpu.memref_slice %arg7[%dma_start3A_91, %dma_start3A_92] : memref<10240x128xf32, #tpu.memory_space<vmem_shared>> -> memref<10240x128xf32, #tpu.memory_space<vmem_shared>>
      tpu.enqueue_indirect_dma source(%arg10 : memref<80x128xf32, #tpu.memory_space<vmem>>) target(%dma_start3A_93 : memref<10240x128xf32, #tpu.memory_space<vmem_shared>>) offsets(%arg13 : memref<80xi32, #tpu.memory_space<vmem>>) semaphore(%run_scoped3A : memref<!tpu.dma_semaphore, #tpu.memory_space<semaphore_mem>>) {add = true}
      %dma_wait3A_94 = arith.constant 0 : i32
      %dma_wait3A_95 = arith.constant 0 : i32
      %dma_wait3A_96 = tpu.memref_slice %arg7[%dma_wait3A_94, %dma_wait3A_95] : memref<10240x128xf32, #tpu.memory_space<vmem_shared>> -> memref<10240x128xf32, #tpu.memory_space<vmem_shared>>
      tpu.wait_indirect_dma semaphore(%run_scoped3A : memref<!tpu.dma_semaphore, #tpu.memory_space<semaphore_mem>>) src(%arg10 : memref<80x128xf32, #tpu.memory_space<vmem>>) dst(%dma_wait3A_96 : memref<10240x128xf32, #tpu.memory_space<vmem_shared>>)
      tpu.yield
    }) : () -> ()
    %barrier3A_90 = arith.constant 0 : index
    tpu.barrier barrier_id(%barrier3A_90)
    "tpu.region"() ({
      %run_scoped3A = tpu.sem_alloc : memref<!tpu.dma_semaphore, #tpu.memory_space<semaphore_mem>>
      %dma_start3A_91 = arith.constant 0 : i32
      %dma_start3A_92 = tpu.memref_slice %arg6[%arg0, %mul3A_2, %dma_start3A_91] : memref<2x10240x128xf32, #tpu.memory_space<hbm>> -> memref<1x640x128xf32, #tpu.memory_space<hbm>>
      %dma_start3A_93 = tpu.memref_squeeze %dma_start3A_92 : memref<1x640x128xf32, #tpu.memory_space<hbm>> -> memref<640x128xf32, #tpu.memory_space<hbm>>
      %dma_start3A_94 = arith.constant 0 : i32
      %dma_start3A_95 = tpu.memref_slice %arg7[%mul3A_2, %dma_start3A_94] : memref<10240x128xf32, #tpu.memory_space<vmem_shared>> -> memref<640x128xf32, #tpu.memory_space<vmem_shared>>
      tpu.enqueue_dma source(%dma_start3A_95 : memref<640x128xf32, #tpu.memory_space<vmem_shared>>) target(%dma_start3A_93 : memref<640x128xf32, #tpu.memory_space<hbm>>) target_semaphore(%run_scoped3A : memref<!tpu.dma_semaphore, #tpu.memory_space<semaphore_mem>>)
      %dma_wait3A_96 = arith.constant 0 : i32
      %dma_wait3A_97 = tpu.memref_slice %arg6[%arg0, %mul3A_2, %dma_wait3A_96] : memref<2x10240x128xf32, #tpu.memory_space<hbm>> -> memref<1x640x128xf32, #tpu.memory_space<hbm>>
      %dma_wait3A_98 = tpu.memref_squeeze %dma_wait3A_97 : memref<1x640x128xf32, #tpu.memory_space<hbm>> -> memref<640x128xf32, #tpu.memory_space<hbm>>
      %dma_wait3A_99 = arith.constant 0 : i32
      %dma_wait3A_100 = tpu.memref_slice %arg7[%mul3A_2, %dma_wait3A_99] : memref<10240x128xf32, #tpu.memory_space<vmem_shared>> -> memref<640x128xf32, #tpu.memory_space<vmem_shared>>
      tpu.wait_dma2 semaphore(%run_scoped3A : memref<!tpu.dma_semaphore, #tpu.memory_space<semaphore_mem>>) src(%dma_wait3A_100 : memref<640x128xf32, #tpu.memory_space<vmem_shared>>) dst(%dma_wait3A_98 : memref<640x128xf32, #tpu.memory_space<hbm>>)
      tpu.yield
    }) : () -> ()
    return
  }
}

#map = affine_map<(d0, d1) -> (0, 0)>
#map1 = affine_map<(d0, d1) -> (0, 0, 0)>
module attributes {stable_mosaic.version = 14 : i64} {
  func.func @_spmm_body(%arg0: i32, %arg1: i32, %arg2: memref<10000x128xf32, #tpu.memory_space<hbm>>, %arg3: memref<32x125x80xi32, #tpu.memory_space<hbm>>, %arg4: memref<32x125x80xi32, #tpu.memory_space<hbm>>, %arg5: memref<160x128xf32, #tpu.memory_space<hbm>>, %arg6: memref<2x10240x128xf32, #tpu.memory_space<hbm>>, %arg7: memref<10240x128xf32, #tpu.memory_space<vmem_shared>>, %arg8: memref<125x80xi32, #tpu.memory_space<vmem>>, %arg9: memref<80x128xf32, #tpu.memory_space<vmem>>, %arg10: memref<80x128xf32, #tpu.memory_space<vmem>>, %arg11: memref<80x128xf32, #tpu.memory_space<vmem>>, %arg12: memref<80xi32, #tpu.memory_space<vmem>>, %arg13: memref<80xi32, #tpu.memory_space<vmem>>, %arg14: memref<80xi32, #tpu.memory_space<vmem>>, %arg15: memref<!tpu.dma_semaphore, #tpu.memory_space<semaphore_mem>>, %arg16: memref<!tpu.dma_semaphore, #tpu.memory_space<semaphore_mem>>, %arg17: memref<!tpu.dma_semaphore, #tpu.memory_space<semaphore_mem>>, %arg18: memref<!tpu.dma_semaphore, #tpu.memory_space<semaphore_mem>>, %arg19: memref<!tpu.dma_semaphore, #tpu.memory_space<semaphore_mem>>, %arg20: memref<!tpu.dma_semaphore, #tpu.memory_space<semaphore_mem>>) attributes {dimension_semantics = [#tpu.dimension_semantics<core_parallel>, #tpu.dimension_semantics<subcore_parallel>], iteration_bounds = array<i64: 2, 16>, scalar_prefetch = 0 : i64, scratch_operands = 14 : i64, tpu.core_type = #tpu.core_type<sc_vector_subcore>, window_params = [{transform_indices = #map}, {transform_indices = #map1}, {transform_indices = #map1}, {transform_indices = #map}, {transform_indices = #map1}]} {
    %mul3A = arith.constant 2 : i32
    %mul3A_0 = arith.muli %arg1, %mul3A : i32
    %add3A = arith.addi %mul3A_0, %arg0 : i32
    %mul3A_1 = arith.constant 640 : i32
    %mul3A_2 = arith.muli %arg1, %mul3A_1 : i32
    %add3A_3 = arith.constant 0 : i32
    %add3A_4 = arith.addi %mul3A_2, %add3A_3 : i32
    "tpu.region"() ({
      %run_scoped3A = tpu.sem_alloc : memref<!tpu.dma_semaphore, #tpu.memory_space<semaphore_mem>>
      %dma_start3A_91 = arith.constant 0 : i32
      %dma_start3A_92 = tpu.memref_slice %arg7[%add3A_4, %dma_start3A_91] : memref<10240x128xf32, #tpu.memory_space<vmem_shared>> -> memref<160x128xf32, #tpu.memory_space<vmem_shared>>
      tpu.enqueue_dma source(%arg5 : memref<160x128xf32, #tpu.memory_space<hbm>>) target(%dma_start3A_92 : memref<160x128xf32, #tpu.memory_space<vmem_shared>>) target_semaphore(%run_scoped3A : memref<!tpu.dma_semaphore, #tpu.memory_space<semaphore_mem>>)
      %dma_wait3A_93 = arith.constant 0 : i32
      %dma_wait3A_94 = tpu.memref_slice %arg7[%add3A_4, %dma_wait3A_93] : memref<10240x128xf32, #tpu.memory_space<vmem_shared>> -> memref<160x128xf32, #tpu.memory_space<vmem_shared>>
      tpu.wait_dma2 semaphore(%run_scoped3A : memref<!tpu.dma_semaphore, #tpu.memory_space<semaphore_mem>>) src(%arg5 : memref<160x128xf32, #tpu.memory_space<hbm>>) dst(%dma_wait3A_94 : memref<160x128xf32, #tpu.memory_space<vmem_shared>>)
      tpu.yield
    }) : () -> ()
    %add3A_5 = arith.constant 160 : i32
    %add3A_6 = arith.addi %mul3A_2, %add3A_5 : i32
    "tpu.region"() ({
      %run_scoped3A = tpu.sem_alloc : memref<!tpu.dma_semaphore, #tpu.memory_space<semaphore_mem>>
      %dma_start3A_91 = arith.constant 0 : i32
      %dma_start3A_92 = tpu.memref_slice %arg7[%add3A_6, %dma_start3A_91] : memref<10240x128xf32, #tpu.memory_space<vmem_shared>> -> memref<160x128xf32, #tpu.memory_space<vmem_shared>>
      tpu.enqueue_dma source(%arg5 : memref<160x128xf32, #tpu.memory_space<hbm>>) target(%dma_start3A_92 : memref<160x128xf32, #tpu.memory_space<vmem_shared>>) target_semaphore(%run_scoped3A : memref<!tpu.dma_semaphore, #tpu.memory_space<semaphore_mem>>)
      %dma_wait3A_93 = arith.constant 0 : i32
      %dma_wait3A_94 = tpu.memref_slice %arg7[%add3A_6, %dma_wait3A_93] : memref<10240x128xf32, #tpu.memory_space<vmem_shared>> -> memref<160x128xf32, #tpu.memory_space<vmem_shared>>
      tpu.wait_dma2 semaphore(%run_scoped3A : memref<!tpu.dma_semaphore, #tpu.memory_space<semaphore_mem>>) src(%arg5 : memref<160x128xf32, #tpu.memory_space<hbm>>) dst(%dma_wait3A_94 : memref<160x128xf32, #tpu.memory_space<vmem_shared>>)
      tpu.yield
    }) : () -> ()
    %add3A_7 = arith.constant 320 : i32
    %add3A_8 = arith.addi %mul3A_2, %add3A_7 : i32
    "tpu.region"() ({
      %run_scoped3A = tpu.sem_alloc : memref<!tpu.dma_semaphore, #tpu.memory_space<semaphore_mem>>
      %dma_start3A_91 = arith.constant 0 : i32
      %dma_start3A_92 = tpu.memref_slice %arg7[%add3A_8, %dma_start3A_91] : memref<10240x128xf32, #tpu.memory_space<vmem_shared>> -> memref<160x128xf32, #tpu.memory_space<vmem_shared>>
      tpu.enqueue_dma source(%arg5 : memref<160x128xf32, #tpu.memory_space<hbm>>) target(%dma_start3A_92 : memref<160x128xf32, #tpu.memory_space<vmem_shared>>) target_semaphore(%run_scoped3A : memref<!tpu.dma_semaphore, #tpu.memory_space<semaphore_mem>>)
      %dma_wait3A_93 = arith.constant 0 : i32
      %dma_wait3A_94 = tpu.memref_slice %arg7[%add3A_8, %dma_wait3A_93] : memref<10240x128xf32, #tpu.memory_space<vmem_shared>> -> memref<160x128xf32, #tpu.memory_space<vmem_shared>>
      tpu.wait_dma2 semaphore(%run_scoped3A : memref<!tpu.dma_semaphore, #tpu.memory_space<semaphore_mem>>) src(%arg5 : memref<160x128xf32, #tpu.memory_space<hbm>>) dst(%dma_wait3A_94 : memref<160x128xf32, #tpu.memory_space<vmem_shared>>)
      tpu.yield
    }) : () -> ()
    %add3A_9 = arith.constant 480 : i32
    %add3A_10 = arith.addi %mul3A_2, %add3A_9 : i32
    "tpu.region"() ({
      %run_scoped3A = tpu.sem_alloc : memref<!tpu.dma_semaphore, #tpu.memory_space<semaphore_mem>>
      %dma_start3A_91 = arith.constant 0 : i32
      %dma_start3A_92 = tpu.memref_slice %arg7[%add3A_10, %dma_start3A_91] : memref<10240x128xf32, #tpu.memory_space<vmem_shared>> -> memref<160x128xf32, #tpu.memory_space<vmem_shared>>
      tpu.enqueue_dma source(%arg5 : memref<160x128xf32, #tpu.memory_space<hbm>>) target(%dma_start3A_92 : memref<160x128xf32, #tpu.memory_space<vmem_shared>>) target_semaphore(%run_scoped3A : memref<!tpu.dma_semaphore, #tpu.memory_space<semaphore_mem>>)
      %dma_wait3A_93 = arith.constant 0 : i32
      %dma_wait3A_94 = tpu.memref_slice %arg7[%add3A_10, %dma_wait3A_93] : memref<10240x128xf32, #tpu.memory_space<vmem_shared>> -> memref<160x128xf32, #tpu.memory_space<vmem_shared>>
      tpu.wait_dma2 semaphore(%run_scoped3A : memref<!tpu.dma_semaphore, #tpu.memory_space<semaphore_mem>>) src(%arg5 : memref<160x128xf32, #tpu.memory_space<hbm>>) dst(%dma_wait3A_94 : memref<160x128xf32, #tpu.memory_space<vmem_shared>>)
      tpu.yield
    }) : () -> ()
    "tpu.region"() ({
      %run_scoped3A = tpu.sem_alloc : memref<!tpu.dma_semaphore, #tpu.memory_space<semaphore_mem>>
      %dma_start3A_91 = arith.constant 0 : i32
      %dma_start3A_92 = arith.constant 0 : i32
      %dma_start3A_93 = tpu.memref_slice %arg4[%add3A, %dma_start3A_91, %dma_start3A_92] : memref<32x125x80xi32, #tpu.memory_space<hbm>> -> memref<1x125x80xi32, #tpu.memory_space<hbm>>
      %dma_start3A_94 = tpu.memref_squeeze %dma_start3A_93 : memref<1x125x80xi32, #tpu.memory_space<hbm>> -> memref<125x80xi32, #tpu.memory_space<hbm>>
      %dma_start3A_95 = arith.constant 0 : i32
      %dma_start3A_96 = arith.constant 0 : i32
      %dma_start3A_97 = tpu.memref_slice %arg4[%add3A, %dma_start3A_95, %dma_start3A_96] : memref<32x125x80xi32, #tpu.memory_space<hbm>> -> memref<1x125x80xi32, #tpu.memory_space<hbm>>
      %dma_start3A_98 = tpu.memref_squeeze %dma_start3A_97 : memref<1x125x80xi32, #tpu.memory_space<hbm>> -> memref<125x80xi32, #tpu.memory_space<hbm>>
      tpu.enqueue_dma source(%dma_start3A_98 : memref<125x80xi32, #tpu.memory_space<hbm>>) target(%arg8 : memref<125x80xi32, #tpu.memory_space<vmem>>) target_semaphore(%run_scoped3A : memref<!tpu.dma_semaphore, #tpu.memory_space<semaphore_mem>>)
      %dma_wait3A_99 = arith.constant 0 : i32
      %dma_wait3A_100 = arith.constant 0 : i32
      %dma_wait3A_101 = tpu.memref_slice %arg4[%add3A, %dma_wait3A_99, %dma_wait3A_100] : memref<32x125x80xi32, #tpu.memory_space<hbm>> -> memref<1x125x80xi32, #tpu.memory_space<hbm>>
      %dma_wait3A_102 = tpu.memref_squeeze %dma_wait3A_101 : memref<1x125x80xi32, #tpu.memory_space<hbm>> -> memref<125x80xi32, #tpu.memory_space<hbm>>
      %dma_wait3A_103 = arith.constant 0 : i32
      %dma_wait3A_104 = arith.constant 0 : i32
      %dma_wait3A_105 = tpu.memref_slice %arg4[%add3A, %dma_wait3A_103, %dma_wait3A_104] : memref<32x125x80xi32, #tpu.memory_space<hbm>> -> memref<1x125x80xi32, #tpu.memory_space<hbm>>
      %dma_wait3A_106 = tpu.memref_squeeze %dma_wait3A_105 : memref<1x125x80xi32, #tpu.memory_space<hbm>> -> memref<125x80xi32, #tpu.memory_space<hbm>>
      tpu.wait_dma2 semaphore(%run_scoped3A : memref<!tpu.dma_semaphore, #tpu.memory_space<semaphore_mem>>) src(%dma_wait3A_106 : memref<125x80xi32, #tpu.memory_space<hbm>>) dst(%arg8 : memref<125x80xi32, #tpu.memory_space<vmem>>)
      tpu.yield
    }) : () -> ()
    %barrier3A = arith.constant 0 : index
    tpu.barrier barrier_id(%barrier3A)
    %dma_start3A = arith.constant 0 : i32
    %dma_start3A_11 = arith.constant 0 : i32
    %dma_start3A_12 = tpu.memref_slice %arg3[%add3A, %dma_start3A, %dma_start3A_11] : memref<32x125x80xi32, #tpu.memory_space<hbm>> -> memref<1x1x80xi32, #tpu.memory_space<hbm>>
    %dma_start3A_13 = tpu.memref_squeeze %dma_start3A_12 : memref<1x1x80xi32, #tpu.memory_space<hbm>> -> memref<80xi32, #tpu.memory_space<hbm>>
    %dma_start3A_14 = arith.constant 0 : i32
    %dma_start3A_15 = tpu.memref_slice %arg3[%add3A, %dma_start3A, %dma_start3A_14] : memref<32x125x80xi32, #tpu.memory_space<hbm>> -> memref<1x1x80xi32, #tpu.memory_space<hbm>>
    %dma_start3A_16 = tpu.memref_squeeze %dma_start3A_15 : memref<1x1x80xi32, #tpu.memory_space<hbm>> -> memref<80xi32, #tpu.memory_space<hbm>>
    tpu.enqueue_dma source(%dma_start3A_16 : memref<80xi32, #tpu.memory_space<hbm>>) target(%arg12 : memref<80xi32, #tpu.memory_space<vmem>>) target_semaphore(%arg18 : memref<!tpu.dma_semaphore, #tpu.memory_space<semaphore_mem>>)
    %dma_start3A_17 = arith.constant 1 : i32
    %dma_start3A_18 = arith.constant 0 : i32
    %dma_start3A_19 = tpu.memref_slice %arg3[%add3A, %dma_start3A_17, %dma_start3A_18] : memref<32x125x80xi32, #tpu.memory_space<hbm>> -> memref<1x1x80xi32, #tpu.memory_space<hbm>>
    %dma_start3A_20 = tpu.memref_squeeze %dma_start3A_19 : memref<1x1x80xi32, #tpu.memory_space<hbm>> -> memref<80xi32, #tpu.memory_space<hbm>>
    %dma_start3A_21 = arith.constant 0 : i32
    %dma_start3A_22 = tpu.memref_slice %arg3[%add3A, %dma_start3A_17, %dma_start3A_21] : memref<32x125x80xi32, #tpu.memory_space<hbm>> -> memref<1x1x80xi32, #tpu.memory_space<hbm>>
    %dma_start3A_23 = tpu.memref_squeeze %dma_start3A_22 : memref<1x1x80xi32, #tpu.memory_space<hbm>> -> memref<80xi32, #tpu.memory_space<hbm>>
    tpu.enqueue_dma source(%dma_start3A_23 : memref<80xi32, #tpu.memory_space<hbm>>) target(%arg13 : memref<80xi32, #tpu.memory_space<vmem>>) target_semaphore(%arg19 : memref<!tpu.dma_semaphore, #tpu.memory_space<semaphore_mem>>)
    %dma_start3A_24 = arith.constant 2 : i32
    %dma_start3A_25 = arith.constant 0 : i32
    %dma_start3A_26 = tpu.memref_slice %arg3[%add3A, %dma_start3A_24, %dma_start3A_25] : memref<32x125x80xi32, #tpu.memory_space<hbm>> -> memref<1x1x80xi32, #tpu.memory_space<hbm>>
    %dma_start3A_27 = tpu.memref_squeeze %dma_start3A_26 : memref<1x1x80xi32, #tpu.memory_space<hbm>> -> memref<80xi32, #tpu.memory_space<hbm>>
    %dma_start3A_28 = arith.constant 0 : i32
    %dma_start3A_29 = tpu.memref_slice %arg3[%add3A, %dma_start3A_24, %dma_start3A_28] : memref<32x125x80xi32, #tpu.memory_space<hbm>> -> memref<1x1x80xi32, #tpu.memory_space<hbm>>
    %dma_start3A_30 = tpu.memref_squeeze %dma_start3A_29 : memref<1x1x80xi32, #tpu.memory_space<hbm>> -> memref<80xi32, #tpu.memory_space<hbm>>
    tpu.enqueue_dma source(%dma_start3A_30 : memref<80xi32, #tpu.memory_space<hbm>>) target(%arg14 : memref<80xi32, #tpu.memory_space<vmem>>) target_semaphore(%arg20 : memref<!tpu.dma_semaphore, #tpu.memory_space<semaphore_mem>>)
    %dma_start3A_31 = arith.constant 0 : i32
    %dma_start3A_32 = arith.constant 0 : i32
    %dma_start3A_33 = tpu.memref_slice %arg8[%dma_start3A_31, %dma_start3A_32] : memref<125x80xi32, #tpu.memory_space<vmem>> -> memref<1x80xi32, #tpu.memory_space<vmem>>
    %dma_start3A_34 = tpu.memref_squeeze %dma_start3A_33 : memref<1x80xi32, #tpu.memory_space<vmem>> -> memref<80xi32, #tpu.memory_space<vmem>>
    %dma_start3A_35 = arith.constant 0 : i32
    %dma_start3A_36 = arith.constant 0 : i32
    %dma_start3A_37 = tpu.memref_slice %arg2[%dma_start3A_35, %dma_start3A_36] : memref<10000x128xf32, #tpu.memory_space<hbm>> -> memref<10000x128xf32, #tpu.memory_space<hbm>>
    tpu.enqueue_indirect_dma source(%dma_start3A_37 : memref<10000x128xf32, #tpu.memory_space<hbm>>) target(%arg9 : memref<80x128xf32, #tpu.memory_space<vmem>>) offsets(%dma_start3A_34 : memref<80xi32, #tpu.memory_space<vmem>>) semaphore(%arg15 : memref<!tpu.dma_semaphore, #tpu.memory_space<semaphore_mem>>)
    %dma_start3A_38 = arith.constant 1 : i32
    %dma_start3A_39 = arith.constant 0 : i32
    %dma_start3A_40 = tpu.memref_slice %arg8[%dma_start3A_38, %dma_start3A_39] : memref<125x80xi32, #tpu.memory_space<vmem>> -> memref<1x80xi32, #tpu.memory_space<vmem>>
    %dma_start3A_41 = tpu.memref_squeeze %dma_start3A_40 : memref<1x80xi32, #tpu.memory_space<vmem>> -> memref<80xi32, #tpu.memory_space<vmem>>
    %dma_start3A_42 = arith.constant 0 : i32
    %dma_start3A_43 = arith.constant 0 : i32
    %dma_start3A_44 = tpu.memref_slice %arg2[%dma_start3A_42, %dma_start3A_43] : memref<10000x128xf32, #tpu.memory_space<hbm>> -> memref<10000x128xf32, #tpu.memory_space<hbm>>
    tpu.enqueue_indirect_dma source(%dma_start3A_44 : memref<10000x128xf32, #tpu.memory_space<hbm>>) target(%arg10 : memref<80x128xf32, #tpu.memory_space<vmem>>) offsets(%dma_start3A_41 : memref<80xi32, #tpu.memory_space<vmem>>) semaphore(%arg16 : memref<!tpu.dma_semaphore, #tpu.memory_space<semaphore_mem>>)
    %dma_start3A_45 = arith.constant 2 : i32
    %dma_start3A_46 = arith.constant 0 : i32
    %dma_start3A_47 = tpu.memref_slice %arg8[%dma_start3A_45, %dma_start3A_46] : memref<125x80xi32, #tpu.memory_space<vmem>> -> memref<1x80xi32, #tpu.memory_space<vmem>>
    %dma_start3A_48 = tpu.memref_squeeze %dma_start3A_47 : memref<1x80xi32, #tpu.memory_space<vmem>> -> memref<80xi32, #tpu.memory_space<vmem>>
    %dma_start3A_49 = arith.constant 0 : i32
    %dma_start3A_50 = arith.constant 0 : i32
    %dma_start3A_51 = tpu.memref_slice %arg2[%dma_start3A_49, %dma_start3A_50] : memref<10000x128xf32, #tpu.memory_space<hbm>> -> memref<10000x128xf32, #tpu.memory_space<hbm>>
    tpu.enqueue_indirect_dma source(%dma_start3A_51 : memref<10000x128xf32, #tpu.memory_space<hbm>>) target(%arg11 : memref<80x128xf32, #tpu.memory_space<vmem>>) offsets(%dma_start3A_48 : memref<80xi32, #tpu.memory_space<vmem>>) semaphore(%arg17 : memref<!tpu.dma_semaphore, #tpu.memory_space<semaphore_mem>>)
    %scan3A = arith.constant 0 : i32
    %scan3A_52 = arith.constant 0 : i32
    %scan3A_53 = arith.constant 0 : i32
    %scan3A_54 = arith.constant 1 : i32
    %scan3A_55 = arith.constant 1 : i32
    %scan3A_56 = arith.constant 2 : i32
    %scan3A_57 = arith.constant 2 : i32
    %scan3A_58 = arith.constant 0 : i32
    %scan3A_59 = arith.constant 41 : i32
    %scan3A_60 = arith.addi %scan3A_58, %scan3A_59 : i32
    %scan3A_61 = arith.constant 1 : i32
    scf.for %scan3A_91 = %scan3A_58 to %scan3A_60 step %scan3A_61  : i32 {
      %mul3A_92 = arith.constant 3 : i32
      %mul3A_93 = arith.muli %mul3A_92, %scan3A_91 : i32
      %dma_wait3A_94 = arith.constant 0 : i32
      %dma_wait3A_95 = tpu.memref_slice %arg8[%scan3A_52, %dma_wait3A_94] : memref<125x80xi32, #tpu.memory_space<vmem>> -> memref<1x80xi32, #tpu.memory_space<vmem>>
      %dma_wait3A_96 = tpu.memref_squeeze %dma_wait3A_95 : memref<1x80xi32, #tpu.memory_space<vmem>> -> memref<80xi32, #tpu.memory_space<vmem>>
      %dma_wait3A_97 = arith.constant 0 : i32
      %dma_wait3A_98 = arith.constant 0 : i32
      %dma_wait3A_99 = tpu.memref_slice %arg2[%dma_wait3A_97, %dma_wait3A_98] : memref<10000x128xf32, #tpu.memory_space<hbm>> -> memref<10000x128xf32, #tpu.memory_space<hbm>>
      tpu.wait_indirect_dma semaphore(%arg15 : memref<!tpu.dma_semaphore, #tpu.memory_space<semaphore_mem>>) src(%dma_wait3A_99 : memref<10000x128xf32, #tpu.memory_space<hbm>>) dst(%arg9 : memref<80x128xf32, #tpu.memory_space<vmem>>)
      %dma_wait3A_100 = arith.constant 0 : i32
      %dma_wait3A_101 = tpu.memref_slice %arg3[%add3A, %scan3A_53, %dma_wait3A_100] : memref<32x125x80xi32, #tpu.memory_space<hbm>> -> memref<1x1x80xi32, #tpu.memory_space<hbm>>
      %dma_wait3A_102 = tpu.memref_squeeze %dma_wait3A_101 : memref<1x1x80xi32, #tpu.memory_space<hbm>> -> memref<80xi32, #tpu.memory_space<hbm>>
      %dma_wait3A_103 = arith.constant 0 : i32
      %dma_wait3A_104 = tpu.memref_slice %arg3[%add3A, %scan3A_53, %dma_wait3A_103] : memref<32x125x80xi32, #tpu.memory_space<hbm>> -> memref<1x1x80xi32, #tpu.memory_space<hbm>>
      %dma_wait3A_105 = tpu.memref_squeeze %dma_wait3A_104 : memref<1x1x80xi32, #tpu.memory_space<hbm>> -> memref<80xi32, #tpu.memory_space<hbm>>
      tpu.wait_dma2 semaphore(%arg18 : memref<!tpu.dma_semaphore, #tpu.memory_space<semaphore_mem>>) src(%dma_wait3A_105 : memref<80xi32, #tpu.memory_space<hbm>>) dst(%arg12 : memref<80xi32, #tpu.memory_space<vmem>>)
      "tpu.region"() ({
        %run_scoped3A = tpu.sem_alloc : memref<!tpu.dma_semaphore, #tpu.memory_space<semaphore_mem>>
        %dma_start3A_168 = arith.constant 0 : i32
        %dma_start3A_169 = arith.constant 0 : i32
        %dma_start3A_170 = tpu.memref_slice %arg7[%dma_start3A_168, %dma_start3A_169] : memref<10240x128xf32, #tpu.memory_space<vmem_shared>> -> memref<10240x128xf32, #tpu.memory_space<vmem_shared>>
        tpu.enqueue_indirect_dma source(%arg9 : memref<80x128xf32, #tpu.memory_space<vmem>>) target(%dma_start3A_170 : memref<10240x128xf32, #tpu.memory_space<vmem_shared>>) offsets(%arg12 : memref<80xi32, #tpu.memory_space<vmem>>) semaphore(%run_scoped3A : memref<!tpu.dma_semaphore, #tpu.memory_space<semaphore_mem>>) {add = true}
        %dma_wait3A_171 = arith.constant 0 : i32
        %dma_wait3A_172 = arith.constant 0 : i32
        %dma_wait3A_173 = tpu.memref_slice %arg7[%dma_wait3A_171, %dma_wait3A_172] : memref<10240x128xf32, #tpu.memory_space<vmem_shared>> -> memref<10240x128xf32, #tpu.memory_space<vmem_shared>>
        tpu.wait_indirect_dma semaphore(%run_scoped3A : memref<!tpu.dma_semaphore, #tpu.memory_space<semaphore_mem>>) src(%arg9 : memref<80x128xf32, #tpu.memory_space<vmem>>) dst(%dma_wait3A_173 : memref<10240x128xf32, #tpu.memory_space<vmem_shared>>)
        tpu.yield
      }) : () -> ()
      %add3A_106 = arith.constant 0 : i32
      %add3A_107 = arith.addi %mul3A_93, %add3A_106 : i32
      %add3A_108 = arith.constant 3 : i32
      %add3A_109 = arith.addi %add3A_107, %add3A_108 : i32
      %dma_start3A_110 = arith.constant 0 : i32
      %dma_start3A_111 = tpu.memref_slice %arg8[%add3A_109, %dma_start3A_110] : memref<125x80xi32, #tpu.memory_space<vmem>> -> memref<1x80xi32, #tpu.memory_space<vmem>>
      %dma_start3A_112 = tpu.memref_squeeze %dma_start3A_111 : memref<1x80xi32, #tpu.memory_space<vmem>> -> memref<80xi32, #tpu.memory_space<vmem>>
      %dma_start3A_113 = arith.constant 0 : i32
      %dma_start3A_114 = arith.constant 0 : i32
      %dma_start3A_115 = tpu.memref_slice %arg2[%dma_start3A_113, %dma_start3A_114] : memref<10000x128xf32, #tpu.memory_space<hbm>> -> memref<10000x128xf32, #tpu.memory_space<hbm>>
      tpu.enqueue_indirect_dma source(%dma_start3A_115 : memref<10000x128xf32, #tpu.memory_space<hbm>>) target(%arg9 : memref<80x128xf32, #tpu.memory_space<vmem>>) offsets(%dma_start3A_112 : memref<80xi32, #tpu.memory_space<vmem>>) semaphore(%arg15 : memref<!tpu.dma_semaphore, #tpu.memory_space<semaphore_mem>>)
      %dma_start3A_116 = arith.constant 0 : i32
      %dma_start3A_117 = tpu.memref_slice %arg3[%add3A, %add3A_109, %dma_start3A_116] : memref<32x125x80xi32, #tpu.memory_space<hbm>> -> memref<1x1x80xi32, #tpu.memory_space<hbm>>
      %dma_start3A_118 = tpu.memref_squeeze %dma_start3A_117 : memref<1x1x80xi32, #tpu.memory_space<hbm>> -> memref<80xi32, #tpu.memory_space<hbm>>
      %dma_start3A_119 = arith.constant 0 : i32
      %dma_start3A_120 = tpu.memref_slice %arg3[%add3A, %add3A_109, %dma_start3A_119] : memref<32x125x80xi32, #tpu.memory_space<hbm>> -> memref<1x1x80xi32, #tpu.memory_space<hbm>>
      %dma_start3A_121 = tpu.memref_squeeze %dma_start3A_120 : memref<1x1x80xi32, #tpu.memory_space<hbm>> -> memref<80xi32, #tpu.memory_space<hbm>>
      tpu.enqueue_dma source(%dma_start3A_121 : memref<80xi32, #tpu.memory_space<hbm>>) target(%arg12 : memref<80xi32, #tpu.memory_space<vmem>>) target_semaphore(%arg18 : memref<!tpu.dma_semaphore, #tpu.memory_space<semaphore_mem>>)
      %dma_wait3A_122 = arith.constant 0 : i32
      %dma_wait3A_123 = tpu.memref_slice %arg8[%scan3A_54, %dma_wait3A_122] : memref<125x80xi32, #tpu.memory_space<vmem>> -> memref<1x80xi32, #tpu.memory_space<vmem>>
      %dma_wait3A_124 = tpu.memref_squeeze %dma_wait3A_123 : memref<1x80xi32, #tpu.memory_space<vmem>> -> memref<80xi32, #tpu.memory_space<vmem>>
      %dma_wait3A_125 = arith.constant 0 : i32
      %dma_wait3A_126 = arith.constant 0 : i32
      %dma_wait3A_127 = tpu.memref_slice %arg2[%dma_wait3A_125, %dma_wait3A_126] : memref<10000x128xf32, #tpu.memory_space<hbm>> -> memref<10000x128xf32, #tpu.memory_space<hbm>>
      tpu.wait_indirect_dma semaphore(%arg16 : memref<!tpu.dma_semaphore, #tpu.memory_space<semaphore_mem>>) src(%dma_wait3A_127 : memref<10000x128xf32, #tpu.memory_space<hbm>>) dst(%arg10 : memref<80x128xf32, #tpu.memory_space<vmem>>)
      %dma_wait3A_128 = arith.constant 0 : i32
      %dma_wait3A_129 = tpu.memref_slice %arg3[%add3A, %scan3A_55, %dma_wait3A_128] : memref<32x125x80xi32, #tpu.memory_space<hbm>> -> memref<1x1x80xi32, #tpu.memory_space<hbm>>
      %dma_wait3A_130 = tpu.memref_squeeze %dma_wait3A_129 : memref<1x1x80xi32, #tpu.memory_space<hbm>> -> memref<80xi32, #tpu.memory_space<hbm>>
      %dma_wait3A_131 = arith.constant 0 : i32
      %dma_wait3A_132 = tpu.memref_slice %arg3[%add3A, %scan3A_55, %dma_wait3A_131] : memref<32x125x80xi32, #tpu.memory_space<hbm>> -> memref<1x1x80xi32, #tpu.memory_space<hbm>>
      %dma_wait3A_133 = tpu.memref_squeeze %dma_wait3A_132 : memref<1x1x80xi32, #tpu.memory_space<hbm>> -> memref<80xi32, #tpu.memory_space<hbm>>
      tpu.wait_dma2 semaphore(%arg19 : memref<!tpu.dma_semaphore, #tpu.memory_space<semaphore_mem>>) src(%dma_wait3A_133 : memref<80xi32, #tpu.memory_space<hbm>>) dst(%arg13 : memref<80xi32, #tpu.memory_space<vmem>>)
      "tpu.region"() ({
        %run_scoped3A = tpu.sem_alloc : memref<!tpu.dma_semaphore, #tpu.memory_space<semaphore_mem>>
        %dma_start3A_168 = arith.constant 0 : i32
        %dma_start3A_169 = arith.constant 0 : i32
        %dma_start3A_170 = tpu.memref_slice %arg7[%dma_start3A_168, %dma_start3A_169] : memref<10240x128xf32, #tpu.memory_space<vmem_shared>> -> memref<10240x128xf32, #tpu.memory_space<vmem_shared>>
        tpu.enqueue_indirect_dma source(%arg10 : memref<80x128xf32, #tpu.memory_space<vmem>>) target(%dma_start3A_170 : memref<10240x128xf32, #tpu.memory_space<vmem_shared>>) offsets(%arg13 : memref<80xi32, #tpu.memory_space<vmem>>) semaphore(%run_scoped3A : memref<!tpu.dma_semaphore, #tpu.memory_space<semaphore_mem>>) {add = true}
        %dma_wait3A_171 = arith.constant 0 : i32
        %dma_wait3A_172 = arith.constant 0 : i32
        %dma_wait3A_173 = tpu.memref_slice %arg7[%dma_wait3A_171, %dma_wait3A_172] : memref<10240x128xf32, #tpu.memory_space<vmem_shared>> -> memref<10240x128xf32, #tpu.memory_space<vmem_shared>>
        tpu.wait_indirect_dma semaphore(%run_scoped3A : memref<!tpu.dma_semaphore, #tpu.memory_space<semaphore_mem>>) src(%arg10 : memref<80x128xf32, #tpu.memory_space<vmem>>) dst(%dma_wait3A_173 : memref<10240x128xf32, #tpu.memory_space<vmem_shared>>)
        tpu.yield
      }) : () -> ()
      %add3A_134 = arith.constant 1 : i32
      %add3A_135 = arith.addi %mul3A_93, %add3A_134 : i32
      %add3A_136 = arith.constant 3 : i32
      %add3A_137 = arith.addi %add3A_135, %add3A_136 : i32
      %dma_start3A_138 = arith.constant 0 : i32
      %dma_start3A_139 = tpu.memref_slice %arg8[%add3A_137, %dma_start3A_138] : memref<125x80xi32, #tpu.memory_space<vmem>> -> memref<1x80xi32, #tpu.memory_space<vmem>>
      %dma_start3A_140 = tpu.memref_squeeze %dma_start3A_139 : memref<1x80xi32, #tpu.memory_space<vmem>> -> memref<80xi32, #tpu.memory_space<vmem>>
      %dma_start3A_141 = arith.constant 0 : i32
      %dma_start3A_142 = arith.constant 0 : i32
      %dma_start3A_143 = tpu.memref_slice %arg2[%dma_start3A_141, %dma_start3A_142] : memref<10000x128xf32, #tpu.memory_space<hbm>> -> memref<10000x128xf32, #tpu.memory_space<hbm>>
      tpu.enqueue_indirect_dma source(%dma_start3A_143 : memref<10000x128xf32, #tpu.memory_space<hbm>>) target(%arg10 : memref<80x128xf32, #tpu.memory_space<vmem>>) offsets(%dma_start3A_140 : memref<80xi32, #tpu.memory_space<vmem>>) semaphore(%arg16 : memref<!tpu.dma_semaphore, #tpu.memory_space<semaphore_mem>>)
      %dma_start3A_144 = arith.constant 0 : i32
      %dma_start3A_145 = tpu.memref_slice %arg3[%add3A, %add3A_137, %dma_start3A_144] : memref<32x125x80xi32, #tpu.memory_space<hbm>> -> memref<1x1x80xi32, #tpu.memory_space<hbm>>
      %dma_start3A_146 = tpu.memref_squeeze %dma_start3A_145 : memref<1x1x80xi32, #tpu.memory_space<hbm>> -> memref<80xi32, #tpu.memory_space<hbm>>
      %dma_start3A_147 = arith.constant 0 : i32
      %dma_start3A_148 = tpu.memref_slice %arg3[%add3A, %add3A_137, %dma_start3A_147] : memref<32x125x80xi32, #tpu.memory_space<hbm>> -> memref<1x1x80xi32, #tpu.memory_space<hbm>>
      %dma_start3A_149 = tpu.memref_squeeze %dma_start3A_148 : memref<1x1x80xi32, #tpu.memory_space<hbm>> -> memref<80xi32, #tpu.memory_space<hbm>>
      tpu.enqueue_dma source(%dma_start3A_149 : memref<80xi32, #tpu.memory_space<hbm>>) target(%arg13 : memref<80xi32, #tpu.memory_space<vmem>>) target_semaphore(%arg19 : memref<!tpu.dma_semaphore, #tpu.memory_space<semaphore_mem>>)
      %dma_wait3A_150 = arith.constant 0 : i32
      %dma_wait3A_151 = tpu.memref_slice %arg8[%scan3A_56, %dma_wait3A_150] : memref<125x80xi32, #tpu.memory_space<vmem>> -> memref<1x80xi32, #tpu.memory_space<vmem>>
      %dma_wait3A_152 = tpu.memref_squeeze %dma_wait3A_151 : memref<1x80xi32, #tpu.memory_space<vmem>> -> memref<80xi32, #tpu.memory_space<vmem>>
      %dma_wait3A_153 = arith.constant 0 : i32
      %dma_wait3A_154 = arith.constant 0 : i32
      %dma_wait3A_155 = tpu.memref_slice %arg2[%dma_wait3A_153, %dma_wait3A_154] : memref<10000x128xf32, #tpu.memory_space<hbm>> -> memref<10000x128xf32, #tpu.memory_space<hbm>>
      tpu.wait_indirect_dma semaphore(%arg17 : memref<!tpu.dma_semaphore, #tpu.memory_space<semaphore_mem>>) src(%dma_wait3A_155 : memref<10000x128xf32, #tpu.memory_space<hbm>>) dst(%arg11 : memref<80x128xf32, #tpu.memory_space<vmem>>)
      %dma_wait3A_156 = arith.constant 0 : i32
      %dma_wait3A_157 = tpu.memref_slice %arg3[%add3A, %scan3A_57, %dma_wait3A_156] : memref<32x125x80xi32, #tpu.memory_space<hbm>> -> memref<1x1x80xi32, #tpu.memory_space<hbm>>
      %dma_wait3A_158 = tpu.memref_squeeze %dma_wait3A_157 : memref<1x1x80xi32, #tpu.memory_space<hbm>> -> memref<80xi32, #tpu.memory_space<hbm>>
      %dma_wait3A_159 = arith.constant 0 : i32
      %dma_wait3A_160 = tpu.memref_slice %arg3[%add3A, %scan3A_57, %dma_wait3A_159] : memref<32x125x80xi32, #tpu.memory_space<hbm>> -> memref<1x1x80xi32, #tpu.memory_space<hbm>>
      %dma_wait3A_161 = tpu.memref_squeeze %dma_wait3A_160 : memref<1x1x80xi32, #tpu.memory_space<hbm>> -> memref<80xi32, #tpu.memory_space<hbm>>
      tpu.wait_dma2 semaphore(%arg20 : memref<!tpu.dma_semaphore, #tpu.memory_space<semaphore_mem>>) src(%dma_wait3A_161 : memref<80xi32, #tpu.memory_space<hbm>>) dst(%arg14 : memref<80xi32, #tpu.memory_space<vmem>>)
      "tpu.region"() ({
        %run_scoped3A = tpu.sem_alloc : memref<!tpu.dma_semaphore, #tpu.memory_space<semaphore_mem>>
        %dma_start3A_168 = arith.constant 0 : i32
        %dma_start3A_169 = arith.constant 0 : i32
        %dma_start3A_170 = tpu.memref_slice %arg7[%dma_start3A_168, %dma_start3A_169] : memref<10240x128xf32, #tpu.memory_space<vmem_shared>> -> memref<10240x128xf32, #tpu.memory_space<vmem_shared>>
        tpu.enqueue_indirect_dma source(%arg11 : memref<80x128xf32, #tpu.memory_space<vmem>>) target(%dma_start3A_170 : memref<10240x128xf32, #tpu.memory_space<vmem_shared>>) offsets(%arg14 : memref<80xi32, #tpu.memory_space<vmem>>) semaphore(%run_scoped3A : memref<!tpu.dma_semaphore, #tpu.memory_space<semaphore_mem>>) {add = true}
        %dma_wait3A_171 = arith.constant 0 : i32
        %dma_wait3A_172 = arith.constant 0 : i32
        %dma_wait3A_173 = tpu.memref_slice %arg7[%dma_wait3A_171, %dma_wait3A_172] : memref<10240x128xf32, #tpu.memory_space<vmem_shared>> -> memref<10240x128xf32, #tpu.memory_space<vmem_shared>>
        tpu.wait_indirect_dma semaphore(%run_scoped3A : memref<!tpu.dma_semaphore, #tpu.memory_space<semaphore_mem>>) src(%arg11 : memref<80x128xf32, #tpu.memory_space<vmem>>) dst(%dma_wait3A_173 : memref<10240x128xf32, #tpu.memory_space<vmem_shared>>)
        tpu.yield
      }) : () -> ()
      %add3A_162 = arith.constant 2 : i32
      %add3A_163 = arith.addi %mul3A_93, %add3A_162 : i32
      %add3A_164 = arith.constant 3 : i32
      %add3A_165 = arith.addi %add3A_163, %add3A_164 : i32
      %lt3A = arith.constant 125 : i32
      %lt3A_166 = arith.cmpi slt, %add3A_165, %lt3A : i32
      %convert_element_type3A = arith.extui %lt3A_166 : i1 to i32
      %cond3A = arith.constant 0 : i32
      %cond3A_167 = arith.cmpi ne, %convert_element_type3A, %cond3A : i32
      scf.if %cond3A_167 {
        %dma_start3A_168 = arith.constant 0 : i32
        %dma_start3A_169 = tpu.memref_slice %arg8[%add3A_165, %dma_start3A_168] : memref<125x80xi32, #tpu.memory_space<vmem>> -> memref<1x80xi32, #tpu.memory_space<vmem>>
        %dma_start3A_170 = tpu.memref_squeeze %dma_start3A_169 : memref<1x80xi32, #tpu.memory_space<vmem>> -> memref<80xi32, #tpu.memory_space<vmem>>
        %dma_start3A_171 = arith.constant 0 : i32
        %dma_start3A_172 = arith.constant 0 : i32
        %dma_start3A_173 = tpu.memref_slice %arg2[%dma_start3A_171, %dma_start3A_172] : memref<10000x128xf32, #tpu.memory_space<hbm>> -> memref<10000x128xf32, #tpu.memory_space<hbm>>
        tpu.enqueue_indirect_dma source(%dma_start3A_173 : memref<10000x128xf32, #tpu.memory_space<hbm>>) target(%arg11 : memref<80x128xf32, #tpu.memory_space<vmem>>) offsets(%dma_start3A_170 : memref<80xi32, #tpu.memory_space<vmem>>) semaphore(%arg17 : memref<!tpu.dma_semaphore, #tpu.memory_space<semaphore_mem>>)
        %dma_start3A_174 = arith.constant 0 : i32
        %dma_start3A_175 = tpu.memref_slice %arg3[%add3A, %add3A_165, %dma_start3A_174] : memref<32x125x80xi32, #tpu.memory_space<hbm>> -> memref<1x1x80xi32, #tpu.memory_space<hbm>>
        %dma_start3A_176 = tpu.memref_squeeze %dma_start3A_175 : memref<1x1x80xi32, #tpu.memory_space<hbm>> -> memref<80xi32, #tpu.memory_space<hbm>>
        %dma_start3A_177 = arith.constant 0 : i32
        %dma_start3A_178 = tpu.memref_slice %arg3[%add3A, %add3A_165, %dma_start3A_177] : memref<32x125x80xi32, #tpu.memory_space<hbm>> -> memref<1x1x80xi32, #tpu.memory_space<hbm>>
        %dma_start3A_179 = tpu.memref_squeeze %dma_start3A_178 : memref<1x1x80xi32, #tpu.memory_space<hbm>> -> memref<80xi32, #tpu.memory_space<hbm>>
        tpu.enqueue_dma source(%dma_start3A_179 : memref<80xi32, #tpu.memory_space<hbm>>) target(%arg14 : memref<80xi32, #tpu.memory_space<vmem>>) target_semaphore(%arg20 : memref<!tpu.dma_semaphore, #tpu.memory_space<semaphore_mem>>)
      } else {
      }
    }
    %scan3A_62 = arith.constant 41 : i32
    %dma_wait3A = arith.constant 0 : i32
    %dma_wait3A_63 = arith.constant 0 : i32
    %dma_wait3A_64 = tpu.memref_slice %arg8[%dma_wait3A, %dma_wait3A_63] : memref<125x80xi32, #tpu.memory_space<vmem>> -> memref<1x80xi32, #tpu.memory_space<vmem>>
    %dma_wait3A_65 = tpu.memref_squeeze %dma_wait3A_64 : memref<1x80xi32, #tpu.memory_space<vmem>> -> memref<80xi32, #tpu.memory_space<vmem>>
    %dma_wait3A_66 = arith.constant 0 : i32
    %dma_wait3A_67 = arith.constant 0 : i32
    %dma_wait3A_68 = tpu.memref_slice %arg2[%dma_wait3A_66, %dma_wait3A_67] : memref<10000x128xf32, #tpu.memory_space<hbm>> -> memref<10000x128xf32, #tpu.memory_space<hbm>>
    tpu.wait_indirect_dma semaphore(%arg15 : memref<!tpu.dma_semaphore, #tpu.memory_space<semaphore_mem>>) src(%dma_wait3A_68 : memref<10000x128xf32, #tpu.memory_space<hbm>>) dst(%arg9 : memref<80x128xf32, #tpu.memory_space<vmem>>)
    %dma_wait3A_69 = arith.constant 0 : i32
    %dma_wait3A_70 = arith.constant 0 : i32
    %dma_wait3A_71 = tpu.memref_slice %arg3[%add3A, %dma_wait3A_69, %dma_wait3A_70] : memref<32x125x80xi32, #tpu.memory_space<hbm>> -> memref<1x1x80xi32, #tpu.memory_space<hbm>>
    %dma_wait3A_72 = tpu.memref_squeeze %dma_wait3A_71 : memref<1x1x80xi32, #tpu.memory_space<hbm>> -> memref<80xi32, #tpu.memory_space<hbm>>
    %dma_wait3A_73 = arith.constant 0 : i32
    %dma_wait3A_74 = tpu.memref_slice %arg3[%add3A, %dma_wait3A_69, %dma_wait3A_73] : memref<32x125x80xi32, #tpu.memory_space<hbm>> -> memref<1x1x80xi32, #tpu.memory_space<hbm>>
    %dma_wait3A_75 = tpu.memref_squeeze %dma_wait3A_74 : memref<1x1x80xi32, #tpu.memory_space<hbm>> -> memref<80xi32, #tpu.memory_space<hbm>>
    tpu.wait_dma2 semaphore(%arg18 : memref<!tpu.dma_semaphore, #tpu.memory_space<semaphore_mem>>) src(%dma_wait3A_75 : memref<80xi32, #tpu.memory_space<hbm>>) dst(%arg12 : memref<80xi32, #tpu.memory_space<vmem>>)
    "tpu.region"() ({
      %run_scoped3A = tpu.sem_alloc : memref<!tpu.dma_semaphore, #tpu.memory_space<semaphore_mem>>
      %dma_start3A_91 = arith.constant 0 : i32
      %dma_start3A_92 = arith.constant 0 : i32
      %dma_start3A_93 = tpu.memref_slice %arg7[%dma_start3A_91, %dma_start3A_92] : memref<10240x128xf32, #tpu.memory_space<vmem_shared>> -> memref<10240x128xf32, #tpu.memory_space<vmem_shared>>
      tpu.enqueue_indirect_dma source(%arg9 : memref<80x128xf32, #tpu.memory_space<vmem>>) target(%dma_start3A_93 : memref<10240x128xf32, #tpu.memory_space<vmem_shared>>) offsets(%arg12 : memref<80xi32, #tpu.memory_space<vmem>>) semaphore(%run_scoped3A : memref<!tpu.dma_semaphore, #tpu.memory_space<semaphore_mem>>) {add = true}
      %dma_wait3A_94 = arith.constant 0 : i32
      %dma_wait3A_95 = arith.constant 0 : i32
      %dma_wait3A_96 = tpu.memref_slice %arg7[%dma_wait3A_94, %dma_wait3A_95] : memref<10240x128xf32, #tpu.memory_space<vmem_shared>> -> memref<10240x128xf32, #tpu.memory_space<vmem_shared>>
      tpu.wait_indirect_dma semaphore(%run_scoped3A : memref<!tpu.dma_semaphore, #tpu.memory_space<semaphore_mem>>) src(%arg9 : memref<80x128xf32, #tpu.memory_space<vmem>>) dst(%dma_wait3A_96 : memref<10240x128xf32, #tpu.memory_space<vmem_shared>>)
      tpu.yield
    }) : () -> ()
    %dma_wait3A_76 = arith.constant 1 : i32
    %dma_wait3A_77 = arith.constant 0 : i32
    %dma_wait3A_78 = tpu.memref_slice %arg8[%dma_wait3A_76, %dma_wait3A_77] : memref<125x80xi32, #tpu.memory_space<vmem>> -> memref<1x80xi32, #tpu.memory_space<vmem>>
    %dma_wait3A_79 = tpu.memref_squeeze %dma_wait3A_78 : memref<1x80xi32, #tpu.memory_space<vmem>> -> memref<80xi32, #tpu.memory_space<vmem>>
    %dma_wait3A_80 = arith.constant 0 : i32
    %dma_wait3A_81 = arith.constant 0 : i32
    %dma_wait3A_82 = tpu.memref_slice %arg2[%dma_wait3A_80, %dma_wait3A_81] : memref<10000x128xf32, #tpu.memory_space<hbm>> -> memref<10000x128xf32, #tpu.memory_space<hbm>>
    tpu.wait_indirect_dma semaphore(%arg16 : memref<!tpu.dma_semaphore, #tpu.memory_space<semaphore_mem>>) src(%dma_wait3A_82 : memref<10000x128xf32, #tpu.memory_space<hbm>>) dst(%arg10 : memref<80x128xf32, #tpu.memory_space<vmem>>)
    %dma_wait3A_83 = arith.constant 1 : i32
    %dma_wait3A_84 = arith.constant 0 : i32
    %dma_wait3A_85 = tpu.memref_slice %arg3[%add3A, %dma_wait3A_83, %dma_wait3A_84] : memref<32x125x80xi32, #tpu.memory_space<hbm>> -> memref<1x1x80xi32, #tpu.memory_space<hbm>>
    %dma_wait3A_86 = tpu.memref_squeeze %dma_wait3A_85 : memref<1x1x80xi32, #tpu.memory_space<hbm>> -> memref<80xi32, #tpu.memory_space<hbm>>
    %dma_wait3A_87 = arith.constant 0 : i32
    %dma_wait3A_88 = tpu.memref_slice %arg3[%add3A, %dma_wait3A_83, %dma_wait3A_87] : memref<32x125x80xi32, #tpu.memory_space<hbm>> -> memref<1x1x80xi32, #tpu.memory_space<hbm>>
    %dma_wait3A_89 = tpu.memref_squeeze %dma_wait3A_88 : memref<1x1x80xi32, #tpu.memory_space<hbm>> -> memref<80xi32, #tpu.memory_space<hbm>>
    tpu.wait_dma2 semaphore(%arg19 : memref<!tpu.dma_semaphore, #tpu.memory_space<semaphore_mem>>) src(%dma_wait3A_89 : memref<80xi32, #tpu.memory_space<hbm>>) dst(%arg13 : memref<80xi32, #tpu.memory_space<vmem>>)
    "tpu.region"() ({
      %run_scoped3A = tpu.sem_alloc : memref<!tpu.dma_semaphore, #tpu.memory_space<semaphore_mem>>
      %dma_start3A_91 = arith.constant 0 : i32
      %dma_start3A_92 = arith.constant 0 : i32
      %dma_start3A_93 = tpu.memref_slice %arg7[%dma_start3A_91, %dma_start3A_92] : memref<10240x128xf32, #tpu.memory_space<vmem_shared>> -> memref<10240x128xf32, #tpu.memory_space<vmem_shared>>
      tpu.enqueue_indirect_dma source(%arg10 : memref<80x128xf32, #tpu.memory_space<vmem>>) target(%dma_start3A_93 : memref<10240x128xf32, #tpu.memory_space<vmem_shared>>) offsets(%arg13 : memref<80xi32, #tpu.memory_space<vmem>>) semaphore(%run_scoped3A : memref<!tpu.dma_semaphore, #tpu.memory_space<semaphore_mem>>) {add = true}
      %dma_wait3A_94 = arith.constant 0 : i32
      %dma_wait3A_95 = arith.constant 0 : i32
      %dma_wait3A_96 = tpu.memref_slice %arg7[%dma_wait3A_94, %dma_wait3A_95] : memref<10240x128xf32, #tpu.memory_space<vmem_shared>> -> memref<10240x128xf32, #tpu.memory_space<vmem_shared>>
      tpu.wait_indirect_dma semaphore(%run_scoped3A : memref<!tpu.dma_semaphore, #tpu.memory_space<semaphore_mem>>) src(%arg10 : memref<80x128xf32, #tpu.memory_space<vmem>>) dst(%dma_wait3A_96 : memref<10240x128xf32, #tpu.memory_space<vmem_shared>>)
      tpu.yield
    }) : () -> ()
    %barrier3A_90 = arith.constant 0 : index
    tpu.barrier barrier_id(%barrier3A_90)
    "tpu.region"() ({
      %run_scoped3A = tpu.sem_alloc : memref<!tpu.dma_semaphore, #tpu.memory_space<semaphore_mem>>
      %dma_start3A_91 = arith.constant 0 : i32
      %dma_start3A_92 = tpu.memref_slice %arg6[%arg0, %mul3A_2, %dma_start3A_91] : memref<2x10240x128xf32, #tpu.memory_space<hbm>> -> memref<1x640x128xf32, #tpu.memory_space<hbm>>
      %dma_start3A_93 = tpu.memref_squeeze %dma_start3A_92 : memref<1x640x128xf32, #tpu.memory_space<hbm>> -> memref<640x128xf32, #tpu.memory_space<hbm>>
      %dma_start3A_94 = arith.constant 0 : i32
      %dma_start3A_95 = tpu.memref_slice %arg7[%mul3A_2, %dma_start3A_94] : memref<10240x128xf32, #tpu.memory_space<vmem_shared>> -> memref<640x128xf32, #tpu.memory_space<vmem_shared>>
      tpu.enqueue_dma source(%dma_start3A_95 : memref<640x128xf32, #tpu.memory_space<vmem_shared>>) target(%dma_start3A_93 : memref<640x128xf32, #tpu.memory_space<hbm>>) target_semaphore(%run_scoped3A : memref<!tpu.dma_semaphore, #tpu.memory_space<semaphore_mem>>)
      %dma_wait3A_96 = arith.constant 0 : i32
      %dma_wait3A_97 = tpu.memref_slice %arg6[%arg0, %mul3A_2, %dma_wait3A_96] : memref<2x10240x128xf32, #tpu.memory_space<hbm>> -> memref<1x640x128xf32, #tpu.memory_space<hbm>>
      %dma_wait3A_98 = tpu.memref_squeeze %dma_wait3A_97 : memref<1x640x128xf32, #tpu.memory_space<hbm>> -> memref<640x128xf32, #tpu.memory_space<hbm>>
      %dma_wait3A_99 = arith.constant 0 : i32
      %dma_wait3A_100 = tpu.memref_slice %arg7[%mul3A_2, %dma_wait3A_99] : memref<10240x128xf32, #tpu.memory_space<vmem_shared>> -> memref<640x128xf32, #tpu.memory_space<vmem_shared>>
      tpu.wait_dma2 semaphore(%run_scoped3A : memref<!tpu.dma_semaphore, #tpu.memory_space<semaphore_mem>>) src(%dma_wait3A_100 : memref<640x128xf32, #tpu.memory_space<vmem_shared>>) dst(%dma_wait3A_98 : memref<640x128xf32, #tpu.memory_space<hbm>>)
      tpu.yield
    }) : () -> ()
    return
  }
}

module attributes {stable_mosaic.version = 14 : i64} {
  func.func @_kin_body(%arg0: i32, %arg1: memref<1000x128xf32, #tpu.memory_space<vmem>>, %arg2: memref<128x128xf32, #tpu.memory_space<vmem>>, %arg3: memref<1x128xf32, #tpu.memory_space<vmem>>, %arg4: memref<2x1000x128xf32, #tpu.memory_space<vmem>>, %arg5: memref<1000x128xf32, #tpu.memory_space<vmem>>, %arg6: memref<1000x128xf32, #tpu.memory_space<vmem>>) attributes {dimension_semantics = [#tpu.dimension_semantics<arbitrary>], iteration_bounds = array<i64: 10>, scalar_prefetch = 0 : i64, scratch_operands = 0 : i64, tpu.core_type = #tpu.core_type<tc>, window_params = [{transform_indices = @transform_0, window_bounds = array<i64: 1000, 128>}, {pipeline_mode = #tpu.pipeline_mode<synchronous>, transform_indices = @transform_1, window_bounds = array<i64: 128, 128>}, {pipeline_mode = #tpu.pipeline_mode<synchronous>, transform_indices = @transform_2, window_bounds = array<i64: 1, 128>}, {transform_indices = @transform_3, window_bounds = array<i64: 2, 1000, 128>}, {transform_indices = @transform_4, window_bounds = array<i64: 1000, 128>}, {transform_indices = @transform_5, window_bounds = array<i64: 1000, 128>}]} {
    %get3A = arith.constant 0 : index
    %get3A_0 = arith.constant 0 : index
    %get3A_1 = vector.load %arg1[%get3A, %get3A_0] : memref<1000x128xf32, #tpu.memory_space<vmem>>, vector<1000x128xf32>
    %get3A_2 = arith.constant 0 : index
    %get3A_3 = arith.constant 0 : index
    %get3A_4 = vector.load %arg2[%get3A_2, %get3A_3] : memref<128x128xf32, #tpu.memory_space<vmem>>, vector<128x128xf32>
    %dot_general3A = arith.constant dense<0.000000e+00> : vector<1000x128xf32>
    %dot_general3A_5 = tpu.matmul %get3A_1, %get3A_4, %dot_general3A {dimension_numbers = #tpu.dot_dimension_numbers<[1], [0], [0], [1], [0, 0, 1, 1], [], []>, transpose_lhs_hint = false} : vector<1000x128xf32>, vector<128x128xf32>, vector<1000x128xf32> -> vector<1000x128xf32>
    %get3A_6 = arith.constant 0 : index
    %get3A_7 = arith.constant 0 : index
    %get3A_8 = vector.load %arg3[%get3A_6, %get3A_7] : memref<1x128xf32, #tpu.memory_space<vmem>>, vector<1x128xf32>
    %add3A = vector.broadcast %get3A_8 : vector<1x128xf32> to vector<1000x128xf32>
    %add3A_9 = arith.addf %dot_general3A_5, %add3A : vector<1000x128xf32>
    %swap3A = arith.constant 0 : index
    %swap3A_10 = arith.constant 0 : index
    %swap3A_11 = vector.load %arg5[%swap3A, %swap3A_10] : memref<1000x128xf32, #tpu.memory_space<vmem>>, vector<1000x128xf32>
    tpu.vector_store %arg5[%swap3A, %swap3A_10], %add3A_9 {strides = array<i32>} : memref<1000x128xf32, #tpu.memory_space<vmem>>, vector<1000x128xf32>,
    %get3A_12 = arith.constant 0 : index
    %get3A_13 = arith.constant 0 : index
    %get3A_14 = arith.constant 0 : index
    %get3A_15 = vector.load %arg4[%get3A_12, %get3A_13, %get3A_14] : memref<2x1000x128xf32, #tpu.memory_space<vmem>>, vector<1x1000x1xf32>
    %get3A_16 = vector.shape_cast %get3A_15 : vector<1x1000x1xf32> to vector<1000x1xf32>
    %get3A_17 = arith.constant 1 : index
    %get3A_18 = arith.constant 0 : index
    %get3A_19 = arith.constant 0 : index
    %get3A_20 = vector.load %arg4[%get3A_17, %get3A_18, %get3A_19] : memref<2x1000x128xf32, #tpu.memory_space<vmem>>, vector<1x1000x1xf32>
    %get3A_21 = vector.shape_cast %get3A_20 : vector<1x1000x1xf32> to vector<1000x1xf32>
    %add3A_22 = arith.addf %get3A_16, %get3A_21 : vector<1000x1xf32>
    %add3A_23 = arith.constant 1.000000e+00 : f32
    %add3A_24 = vector.broadcast %add3A_23 : f32 to vector<1000x1xf32>
    %add3A_25 = arith.addf %add3A_22, %add3A_24 : vector<1000x1xf32>
    %rsqrt3A = math.rsqrt %add3A_25 : vector<1000x1xf32>
    %mul3A = vector.broadcast %rsqrt3A : vector<1000x1xf32> to vector<1000x128xf32>
    %mul3A_26 = arith.mulf %add3A_9, %mul3A : vector<1000x128xf32>
    %swap3A_27 = arith.constant 0 : index
    %swap3A_28 = arith.constant 0 : index
    %swap3A_29 = vector.load %arg6[%swap3A_27, %swap3A_28] : memref<1000x128xf32, #tpu.memory_space<vmem>>, vector<1000x128xf32>
    tpu.vector_store %arg6[%swap3A_27, %swap3A_28], %mul3A_26 {strides = array<i32>} : memref<1000x128xf32, #tpu.memory_space<vmem>>, vector<1000x128xf32>,
    return
  }
  func.func @transform_0(%arg0: i32) -> (i32, i32) {
    %c0_i32 = arith.constant 0 : i32
    %c0_i32_0 = arith.constant 0 : i32
    return %arg0, %c0_i32 : i32, i32
  }
  func.func @transform_1(%arg0: i32) -> (i32, i32) {
    %c0_i32 = arith.constant 0 : i32
    %c0_i32_0 = arith.constant 0 : i32
    %c0_i32_1 = arith.constant 0 : i32
    return %c0_i32, %c0_i32_0 : i32, i32
  }
  func.func @transform_2(%arg0: i32) -> (i32, i32) {
    %c0_i32 = arith.constant 0 : i32
    %c0_i32_0 = arith.constant 0 : i32
    %c0_i32_1 = arith.constant 0 : i32
    return %c0_i32, %c0_i32_0 : i32, i32
  }
  func.func @transform_3(%arg0: i32) -> (i32, i32, i32) {
    %c0_i32 = arith.constant 0 : i32
    %c0_i32_0 = arith.constant 0 : i32
    %c0_i32_1 = arith.constant 0 : i32
    return %c0_i32, %arg0, %c0_i32_0 : i32, i32, i32
  }
  func.func @transform_4(%arg0: i32) -> (i32, i32) {
    %c0_i32 = arith.constant 0 : i32
    %c0_i32_0 = arith.constant 0 : i32
    return %arg0, %c0_i32 : i32, i32
  }
  func.func @transform_5(%arg0: i32) -> (i32, i32) {
    %c0_i32 = arith.constant 0 : i32
    %c0_i32_0 = arith.constant 0 : i32
    return %arg0, %c0_i32 : i32, i32
  }
}

module attributes {stable_mosaic.version = 14 : i64} {
  func.func @_kmid_body(%arg0: i32, %arg1: memref<2x1000x128xf32, #tpu.memory_space<vmem>>, %arg2: memref<1000x128xf32, #tpu.memory_space<vmem>>, %arg3: memref<1000x128xf32, #tpu.memory_space<vmem>>, %arg4: memref<2x1000x128xf32, #tpu.memory_space<vmem>>, %arg5: memref<128x128xf32, #tpu.memory_space<vmem>>, %arg6: memref<1x128xf32, #tpu.memory_space<vmem>>, %arg7: memref<1x128xf32, #tpu.memory_space<vmem>>, %arg8: memref<1x128xf32, #tpu.memory_space<vmem>>, %arg9: memref<128x128xf32, #tpu.memory_space<vmem>>, %arg10: memref<1x128xf32, #tpu.memory_space<vmem>>, %arg11: memref<1000x128xf32, #tpu.memory_space<vmem>>, %arg12: memref<1000x128xf32, #tpu.memory_space<vmem>>) attributes {dimension_semantics = [#tpu.dimension_semantics<arbitrary>], iteration_bounds = array<i64: 10>, scalar_prefetch = 0 : i64, scratch_operands = 0 : i64, tpu.core_type = #tpu.core_type<tc>, window_params = [{transform_indices = @transform_0, window_bounds = array<i64: 2, 1000, 128>}, {transform_indices = @transform_1, window_bounds = array<i64: 1000, 128>}, {transform_indices = @transform_2, window_bounds = array<i64: 1000, 128>}, {transform_indices = @transform_3, window_bounds = array<i64: 2, 1000, 128>}, {pipeline_mode = #tpu.pipeline_mode<synchronous>, transform_indices = @transform_4, window_bounds = array<i64: 128, 128>}, {pipeline_mode = #tpu.pipeline_mode<synchronous>, transform_indices = @transform_5, window_bounds = array<i64: 1, 128>}, {pipeline_mode = #tpu.pipeline_mode<synchronous>, transform_indices = @transform_6, window_bounds = array<i64: 1, 128>}, {pipeline_mode = #tpu.pipeline_mode<synchronous>, transform_indices = @transform_7, window_bounds = array<i64: 1, 128>}, {pipeline_mode = #tpu.pipeline_mode<synchronous>, transform_indices = @transform_8, window_bounds = array<i64: 128, 128>}, {pipeline_mode = #tpu.pipeline_mode<synchronous>, transform_indices = @transform_9, window_bounds = array<i64: 1, 128>}, {transform_indices = @transform_10, window_bounds = array<i64: 1000, 128>}, {transform_indices = @transform_11, window_bounds = array<i64: 1000, 128>}]} {
    %get3A = arith.constant 0 : index
    %get3A_0 = arith.constant 0 : index
    %get3A_1 = arith.constant 0 : index
    %get3A_2 = vector.load %arg4[%get3A, %get3A_0, %get3A_1] : memref<2x1000x128xf32, #tpu.memory_space<vmem>>, vector<1x1000x1xf32>
    %get3A_3 = vector.shape_cast %get3A_2 : vector<1x1000x1xf32> to vector<1000x1xf32>
    %get3A_4 = arith.constant 1 : index
    %get3A_5 = arith.constant 0 : index
    %get3A_6 = arith.constant 0 : index
    %get3A_7 = vector.load %arg4[%get3A_4, %get3A_5, %get3A_6] : memref<2x1000x128xf32, #tpu.memory_space<vmem>>, vector<1x1000x1xf32>
    %get3A_8 = vector.shape_cast %get3A_7 : vector<1x1000x1xf32> to vector<1000x1xf32>
    %add3A = arith.addf %get3A_3, %get3A_8 : vector<1000x1xf32>
    %add3A_9 = arith.constant 1.000000e+00 : f32
    %add3A_10 = vector.broadcast %add3A_9 : f32 to vector<1000x1xf32>
    %add3A_11 = arith.addf %add3A, %add3A_10 : vector<1000x1xf32>
    %rsqrt3A = math.rsqrt %add3A_11 : vector<1000x1xf32>
    %get3A_12 = arith.constant 0 : index
    %get3A_13 = arith.constant 0 : index
    %get3A_14 = arith.constant 0 : index
    %get3A_15 = vector.load %arg1[%get3A_12, %get3A_13, %get3A_14] : memref<2x1000x128xf32, #tpu.memory_space<vmem>>, vector<1x1000x128xf32>
    %get3A_16 = vector.shape_cast %get3A_15 : vector<1x1000x128xf32> to vector<1000x128xf32>
    %get3A_17 = arith.constant 1 : index
    %get3A_18 = arith.constant 0 : index
    %get3A_19 = arith.constant 0 : index
    %get3A_20 = vector.load %arg1[%get3A_17, %get3A_18, %get3A_19] : memref<2x1000x128xf32, #tpu.memory_space<vmem>>, vector<1x1000x128xf32>
    %get3A_21 = vector.shape_cast %get3A_20 : vector<1x1000x128xf32> to vector<1000x128xf32>
    %add3A_22 = arith.addf %get3A_16, %get3A_21 : vector<1000x128xf32>
    %get3A_23 = arith.constant 0 : index
    %get3A_24 = arith.constant 0 : index
    %get3A_25 = vector.load %arg2[%get3A_23, %get3A_24] : memref<1000x128xf32, #tpu.memory_space<vmem>>, vector<1000x128xf32>
    %add3A_26 = arith.addf %add3A_22, %get3A_25 : vector<1000x128xf32>
    %mul3A = vector.broadcast %rsqrt3A : vector<1000x1xf32> to vector<1000x128xf32>
    %mul3A_27 = arith.mulf %add3A_26, %mul3A : vector<1000x128xf32>
    %get3A_28 = arith.constant 0 : index
    %get3A_29 = arith.constant 0 : index
    %get3A_30 = vector.load %arg5[%get3A_28, %get3A_29] : memref<128x128xf32, #tpu.memory_space<vmem>>, vector<128x128xf32>
    %dot_general3A = arith.constant dense<0.000000e+00> : vector<1000x128xf32>
    %dot_general3A_31 = tpu.matmul %mul3A_27, %get3A_30, %dot_general3A {dimension_numbers = #tpu.dot_dimension_numbers<[1], [0], [0], [1], [0, 0, 1, 1], [], []>, transpose_lhs_hint = false} : vector<1000x128xf32>, vector<128x128xf32>, vector<1000x128xf32> -> vector<1000x128xf32>
    %get3A_32 = arith.constant 0 : index
    %get3A_33 = arith.constant 0 : index
    %get3A_34 = vector.load %arg6[%get3A_32, %get3A_33] : memref<1x128xf32, #tpu.memory_space<vmem>>, vector<1x128xf32>
    %add3A_35 = vector.broadcast %get3A_34 : vector<1x128xf32> to vector<1000x128xf32>
    %add3A_36 = arith.addf %dot_general3A_31, %add3A_35 : vector<1000x128xf32>
    %reduce_sum3A = arith.constant dense<0.000000e+00> : vector<1000xf32>
    %reduce_sum3A_37 = vector.multi_reduction <add>, %add3A_36, %reduce_sum3A [1] : vector<1000x128xf32> to vector<1000xf32>
    %broadcast_in_dim3A = vector.shape_cast %reduce_sum3A_37 : vector<1000xf32> to vector<1000x1xf32>
    %div3A = arith.constant 1.280000e+02 : f32
    %div3A_38 = vector.broadcast %div3A : f32 to vector<1000x1xf32>
    %div3A_39 = arith.divf %broadcast_in_dim3A, %div3A_38 : vector<1000x1xf32>
    %sub3A = vector.broadcast %div3A_39 : vector<1000x1xf32> to vector<1000x128xf32>
    %sub3A_40 = arith.subf %add3A_36, %sub3A : vector<1000x128xf32>
    %integer_pow3A = arith.mulf %sub3A_40, %sub3A_40 : vector<1000x128xf32>
    %reduce_sum3A_41 = arith.constant dense<0.000000e+00> : vector<1000xf32>
    %reduce_sum3A_42 = vector.multi_reduction <add>, %integer_pow3A, %reduce_sum3A_41 [1] : vector<1000x128xf32> to vector<1000xf32>
    %broadcast_in_dim3A_43 = vector.shape_cast %reduce_sum3A_42 : vector<1000xf32> to vector<1000x1xf32>
    %div3A_44 = arith.constant 1.280000e+02 : f32
    %div3A_45 = vector.broadcast %div3A_44 : f32 to vector<1000x1xf32>
    %div3A_46 = arith.divf %broadcast_in_dim3A_43, %div3A_45 : vector<1000x1xf32>
    %sub3A_47 = vector.broadcast %div3A_39 : vector<1000x1xf32> to vector<1000x128xf32>
    %sub3A_48 = arith.subf %add3A_36, %sub3A_47 : vector<1000x128xf32>
    %add3A_49 = arith.constant 9.99999974E-6 : f32
    %add3A_50 = vector.broadcast %add3A_49 : f32 to vector<1000x1xf32>
    %add3A_51 = arith.addf %div3A_46, %add3A_50 : vector<1000x1xf32>
    %rsqrt3A_52 = math.rsqrt %add3A_51 : vector<1000x1xf32>
    %mul3A_53 = vector.broadcast %rsqrt3A_52 : vector<1000x1xf32> to vector<1000x128xf32>
    %mul3A_54 = arith.mulf %sub3A_48, %mul3A_53 : vector<1000x128xf32>
    %get3A_55 = arith.constant 0 : index
    %get3A_56 = arith.constant 0 : index
    %get3A_57 = vector.load %arg7[%get3A_55, %get3A_56] : memref<1x128xf32, #tpu.memory_space<vmem>>, vector<1x128xf32>
    %mul3A_58 = vector.broadcast %get3A_57 : vector<1x128xf32> to vector<1000x128xf32>
    %mul3A_59 = arith.mulf %mul3A_54, %mul3A_58 : vector<1000x128xf32>
    %get3A_60 = arith.constant 0 : index
    %get3A_61 = arith.constant 0 : index
    %get3A_62 = vector.load %arg8[%get3A_60, %get3A_61] : memref<1x128xf32, #tpu.memory_space<vmem>>, vector<1x128xf32>
    %add3A_63 = vector.broadcast %get3A_62 : vector<1x128xf32> to vector<1000x128xf32>
    %add3A_64 = arith.addf %mul3A_59, %add3A_63 : vector<1000x128xf32>
    %max3A = arith.constant 0.000000e+00 : f32
    %max3A_65 = vector.broadcast %max3A : f32 to vector<1000x128xf32>
    %max3A_66 = arith.maximumf %add3A_64, %max3A_65 : vector<1000x128xf32>
    %get3A_67 = arith.constant 0 : index
    %get3A_68 = arith.constant 0 : index
    %get3A_69 = vector.load %arg3[%get3A_67, %get3A_68] : memref<1000x128xf32, #tpu.memory_space<vmem>>, vector<1000x128xf32>
    %get3A_70 = arith.constant 0 : index
    %get3A_71 = arith.constant 0 : index
    %get3A_72 = vector.load %arg9[%get3A_70, %get3A_71] : memref<128x128xf32, #tpu.memory_space<vmem>>, vector<128x128xf32>
    %dot_general3A_73 = arith.constant dense<0.000000e+00> : vector<1000x128xf32>
    %dot_general3A_74 = tpu.matmul %get3A_69, %get3A_72, %dot_general3A_73 {dimension_numbers = #tpu.dot_dimension_numbers<[1], [0], [0], [1], [0, 0, 1, 1], [], []>, transpose_lhs_hint = false} : vector<1000x128xf32>, vector<128x128xf32>, vector<1000x128xf32> -> vector<1000x128xf32>
    %add3A_75 = arith.addf %max3A_66, %dot_general3A_74 : vector<1000x128xf32>
    %get3A_76 = arith.constant 0 : index
    %get3A_77 = arith.constant 0 : index
    %get3A_78 = vector.load %arg10[%get3A_76, %get3A_77] : memref<1x128xf32, #tpu.memory_space<vmem>>, vector<1x128xf32>
    %add3A_79 = vector.broadcast %get3A_78 : vector<1x128xf32> to vector<1000x128xf32>
    %add3A_80 = arith.addf %add3A_75, %add3A_79 : vector<1000x128xf32>
    %swap3A = arith.constant 0 : index
    %swap3A_81 = arith.constant 0 : index
    %swap3A_82 = vector.load %arg11[%swap3A, %swap3A_81] : memref<1000x128xf32, #tpu.memory_space<vmem>>, vector<1000x128xf32>
    tpu.vector_store %arg11[%swap3A, %swap3A_81], %add3A_80 {strides = array<i32>} : memref<1000x128xf32, #tpu.memory_space<vmem>>, vector<1000x128xf32>,
    %mul3A_83 = vector.broadcast %rsqrt3A : vector<1000x1xf32> to vector<1000x128xf32>
    %mul3A_84 = arith.mulf %add3A_80, %mul3A_83 : vector<1000x128xf32>
    %swap3A_85 = arith.constant 0 : index
    %swap3A_86 = arith.constant 0 : index
    %swap3A_87 = vector.load %arg12[%swap3A_85, %swap3A_86] : memref<1000x128xf32, #tpu.memory_space<vmem>>, vector<1000x128xf32>
    tpu.vector_store %arg12[%swap3A_85, %swap3A_86], %mul3A_84 {strides = array<i32>} : memref<1000x128xf32, #tpu.memory_space<vmem>>, vector<1000x128xf32>,
    return
  }
  func.func @transform_0(%arg0: i32) -> (i32, i32, i32) {
    %c0_i32 = arith.constant 0 : i32
    %c0_i32_0 = arith.constant 0 : i32
    %c0_i32_1 = arith.constant 0 : i32
    return %c0_i32, %arg0, %c0_i32_0 : i32, i32, i32
  }
  func.func @transform_1(%arg0: i32) -> (i32, i32) {
    %c0_i32 = arith.constant 0 : i32
    %c0_i32_0 = arith.constant 0 : i32
    return %arg0, %c0_i32 : i32, i32
  }
  func.func @transform_2(%arg0: i32) -> (i32, i32) {
    %c0_i32 = arith.constant 0 : i32
    %c0_i32_0 = arith.constant 0 : i32
    return %arg0, %c0_i32 : i32, i32
  }
  func.func @transform_3(%arg0: i32) -> (i32, i32, i32) {
    %c0_i32 = arith.constant 0 : i32
    %c0_i32_0 = arith.constant 0 : i32
    %c0_i32_1 = arith.constant 0 : i32
    return %c0_i32, %arg0, %c0_i32_0 : i32, i32, i32
  }
  func.func @transform_4(%arg0: i32) -> (i32, i32) {
    %c0_i32 = arith.constant 0 : i32
    %c0_i32_0 = arith.constant 0 : i32
    %c0_i32_1 = arith.constant 0 : i32
    return %c0_i32, %c0_i32_0 : i32, i32
  }
  func.func @transform_5(%arg0: i32) -> (i32, i32) {
    %c0_i32 = arith.constant 0 : i32
    %c0_i32_0 = arith.constant 0 : i32
    %c0_i32_1 = arith.constant 0 : i32
    return %c0_i32, %c0_i32_0 : i32, i32
  }
  func.func @transform_6(%arg0: i32) -> (i32, i32) {
    %c0_i32 = arith.constant 0 : i32
    %c0_i32_0 = arith.constant 0 : i32
    %c0_i32_1 = arith.constant 0 : i32
    return %c0_i32, %c0_i32_0 : i32, i32
  }
  func.func @transform_7(%arg0: i32) -> (i32, i32) {
    %c0_i32 = arith.constant 0 : i32
    %c0_i32_0 = arith.constant 0 : i32
    %c0_i32_1 = arith.constant 0 : i32
    return %c0_i32, %c0_i32_0 : i32, i32
  }
  func.func @transform_8(%arg0: i32) -> (i32, i32) {
    %c0_i32 = arith.constant 0 : i32
    %c0_i32_0 = arith.constant 0 : i32
    %c0_i32_1 = arith.constant 0 : i32
    return %c0_i32, %c0_i32_0 : i32, i32
  }
  func.func @transform_9(%arg0: i32) -> (i32, i32) {
    %c0_i32 = arith.constant 0 : i32
    %c0_i32_0 = arith.constant 0 : i32
    %c0_i32_1 = arith.constant 0 : i32
    return %c0_i32, %c0_i32_0 : i32, i32
  }
  func.func @transform_10(%arg0: i32) -> (i32, i32) {
    %c0_i32 = arith.constant 0 : i32
    %c0_i32_0 = arith.constant 0 : i32
    return %arg0, %c0_i32 : i32, i32
  }
  func.func @transform_11(%arg0: i32) -> (i32, i32) {
    %c0_i32 = arith.constant 0 : i32
    %c0_i32_0 = arith.constant 0 : i32
    return %arg0, %c0_i32 : i32, i32
  }
}

module attributes {stable_mosaic.version = 14 : i64} {
  func.func @_kout_body(%arg0: i32, %arg1: memref<2x1000x128xf32, #tpu.memory_space<vmem>>, %arg2: memref<1000x128xf32, #tpu.memory_space<vmem>>, %arg3: memref<1000x128xf32, #tpu.memory_space<vmem>>, %arg4: memref<2x1000x128xf32, #tpu.memory_space<vmem>>, %arg5: memref<128x128xf32, #tpu.memory_space<vmem>>, %arg6: memref<1x128xf32, #tpu.memory_space<vmem>>, %arg7: memref<128x128xf32, #tpu.memory_space<vmem>>, %arg8: memref<1x128xf32, #tpu.memory_space<vmem>>, %arg9: memref<1000x128xf32, #tpu.memory_space<vmem>>) attributes {dimension_semantics = [#tpu.dimension_semantics<arbitrary>], iteration_bounds = array<i64: 10>, scalar_prefetch = 0 : i64, scratch_operands = 0 : i64, tpu.core_type = #tpu.core_type<tc>, window_params = [{transform_indices = @transform_0, window_bounds = array<i64: 2, 1000, 128>}, {transform_indices = @transform_1, window_bounds = array<i64: 1000, 128>}, {transform_indices = @transform_2, window_bounds = array<i64: 1000, 128>}, {transform_indices = @transform_3, window_bounds = array<i64: 2, 1000, 128>}, {pipeline_mode = #tpu.pipeline_mode<synchronous>, transform_indices = @transform_4, window_bounds = array<i64: 128, 128>}, {pipeline_mode = #tpu.pipeline_mode<synchronous>, transform_indices = @transform_5, window_bounds = array<i64: 1, 128>}, {pipeline_mode = #tpu.pipeline_mode<synchronous>, transform_indices = @transform_6, window_bounds = array<i64: 128, 128>}, {pipeline_mode = #tpu.pipeline_mode<synchronous>, transform_indices = @transform_7, window_bounds = array<i64: 1, 128>}, {transform_indices = @transform_8, window_bounds = array<i64: 1000, 128>}]} {
    %get3A = arith.constant 0 : index
    %get3A_0 = arith.constant 0 : index
    %get3A_1 = arith.constant 0 : index
    %get3A_2 = vector.load %arg4[%get3A, %get3A_0, %get3A_1] : memref<2x1000x128xf32, #tpu.memory_space<vmem>>, vector<1x1000x1xf32>
    %get3A_3 = vector.shape_cast %get3A_2 : vector<1x1000x1xf32> to vector<1000x1xf32>
    %get3A_4 = arith.constant 1 : index
    %get3A_5 = arith.constant 0 : index
    %get3A_6 = arith.constant 0 : index
    %get3A_7 = vector.load %arg4[%get3A_4, %get3A_5, %get3A_6] : memref<2x1000x128xf32, #tpu.memory_space<vmem>>, vector<1x1000x1xf32>
    %get3A_8 = vector.shape_cast %get3A_7 : vector<1x1000x1xf32> to vector<1000x1xf32>
    %add3A = arith.addf %get3A_3, %get3A_8 : vector<1000x1xf32>
    %add3A_9 = arith.constant 1.000000e+00 : f32
    %add3A_10 = vector.broadcast %add3A_9 : f32 to vector<1000x1xf32>
    %add3A_11 = arith.addf %add3A, %add3A_10 : vector<1000x1xf32>
    %rsqrt3A = math.rsqrt %add3A_11 : vector<1000x1xf32>
    %get3A_12 = arith.constant 0 : index
    %get3A_13 = arith.constant 0 : index
    %get3A_14 = arith.constant 0 : index
    %get3A_15 = vector.load %arg1[%get3A_12, %get3A_13, %get3A_14] : memref<2x1000x128xf32, #tpu.memory_space<vmem>>, vector<1x1000x128xf32>
    %get3A_16 = vector.shape_cast %get3A_15 : vector<1x1000x128xf32> to vector<1000x128xf32>
    %get3A_17 = arith.constant 1 : index
    %get3A_18 = arith.constant 0 : index
    %get3A_19 = arith.constant 0 : index
    %get3A_20 = vector.load %arg1[%get3A_17, %get3A_18, %get3A_19] : memref<2x1000x128xf32, #tpu.memory_space<vmem>>, vector<1x1000x128xf32>
    %get3A_21 = vector.shape_cast %get3A_20 : vector<1x1000x128xf32> to vector<1000x128xf32>
    %add3A_22 = arith.addf %get3A_16, %get3A_21 : vector<1000x128xf32>
    %get3A_23 = arith.constant 0 : index
    %get3A_24 = arith.constant 0 : index
    %get3A_25 = vector.load %arg2[%get3A_23, %get3A_24] : memref<1000x128xf32, #tpu.memory_space<vmem>>, vector<1000x128xf32>
    %add3A_26 = arith.addf %add3A_22, %get3A_25 : vector<1000x128xf32>
    %mul3A = vector.broadcast %rsqrt3A : vector<1000x1xf32> to vector<1000x128xf32>
    %mul3A_27 = arith.mulf %add3A_26, %mul3A : vector<1000x128xf32>
    %get3A_28 = arith.constant 0 : index
    %get3A_29 = arith.constant 0 : index
    %get3A_30 = vector.load %arg5[%get3A_28, %get3A_29] : memref<128x128xf32, #tpu.memory_space<vmem>>, vector<128x128xf32>
    %dot_general3A = arith.constant dense<0.000000e+00> : vector<1000x128xf32>
    %dot_general3A_31 = tpu.matmul %mul3A_27, %get3A_30, %dot_general3A {dimension_numbers = #tpu.dot_dimension_numbers<[1], [0], [0], [1], [0, 0, 1, 1], [], []>, transpose_lhs_hint = false} : vector<1000x128xf32>, vector<128x128xf32>, vector<1000x128xf32> -> vector<1000x128xf32>
    %get3A_32 = arith.constant 0 : index
    %get3A_33 = arith.constant 0 : index
    %get3A_34 = vector.load %arg6[%get3A_32, %get3A_33] : memref<1x128xf32, #tpu.memory_space<vmem>>, vector<1x128xf32>
    %add3A_35 = vector.broadcast %get3A_34 : vector<1x128xf32> to vector<1000x128xf32>
    %add3A_36 = arith.addf %dot_general3A_31, %add3A_35 : vector<1000x128xf32>
    %get3A_37 = arith.constant 0 : index
    %get3A_38 = arith.constant 0 : index
    %get3A_39 = vector.load %arg3[%get3A_37, %get3A_38] : memref<1000x128xf32, #tpu.memory_space<vmem>>, vector<1000x128xf32>
    %get3A_40 = arith.constant 0 : index
    %get3A_41 = arith.constant 0 : index
    %get3A_42 = vector.load %arg7[%get3A_40, %get3A_41] : memref<128x128xf32, #tpu.memory_space<vmem>>, vector<128x128xf32>
    %dot_general3A_43 = arith.constant dense<0.000000e+00> : vector<1000x128xf32>
    %dot_general3A_44 = tpu.matmul %get3A_39, %get3A_42, %dot_general3A_43 {dimension_numbers = #tpu.dot_dimension_numbers<[1], [0], [0], [1], [0, 0, 1, 1], [], []>, transpose_lhs_hint = false} : vector<1000x128xf32>, vector<128x128xf32>, vector<1000x128xf32> -> vector<1000x128xf32>
    %add3A_45 = arith.addf %add3A_36, %dot_general3A_44 : vector<1000x128xf32>
    %get3A_46 = arith.constant 0 : index
    %get3A_47 = arith.constant 0 : index
    %get3A_48 = vector.load %arg8[%get3A_46, %get3A_47] : memref<1x128xf32, #tpu.memory_space<vmem>>, vector<1x128xf32>
    %add3A_49 = vector.broadcast %get3A_48 : vector<1x128xf32> to vector<1000x128xf32>
    %add3A_50 = arith.addf %add3A_45, %add3A_49 : vector<1000x128xf32>
    %swap3A = arith.constant 0 : index
    %swap3A_51 = arith.constant 0 : index
    %swap3A_52 = vector.load %arg9[%swap3A, %swap3A_51] : memref<1000x128xf32, #tpu.memory_space<vmem>>, vector<1000x128xf32>
    tpu.vector_store %arg9[%swap3A, %swap3A_51], %add3A_50 {strides = array<i32>} : memref<1000x128xf32, #tpu.memory_space<vmem>>, vector<1000x128xf32>,
    return
  }
  func.func @transform_0(%arg0: i32) -> (i32, i32, i32) {
    %c0_i32 = arith.constant 0 : i32
    %c0_i32_0 = arith.constant 0 : i32
    %c0_i32_1 = arith.constant 0 : i32
    return %c0_i32, %arg0, %c0_i32_0 : i32, i32, i32
  }
  func.func @transform_1(%arg0: i32) -> (i32, i32) {
    %c0_i32 = arith.constant 0 : i32
    %c0_i32_0 = arith.constant 0 : i32
    return %arg0, %c0_i32 : i32, i32
  }
  func.func @transform_2(%arg0: i32) -> (i32, i32) {
    %c0_i32 = arith.constant 0 : i32
    %c0_i32_0 = arith.constant 0 : i32
    return %arg0, %c0_i32 : i32, i32
  }
  func.func @transform_3(%arg0: i32) -> (i32, i32, i32) {
    %c0_i32 = arith.constant 0 : i32
    %c0_i32_0 = arith.constant 0 : i32
    %c0_i32_1 = arith.constant 0 : i32
    return %c0_i32, %arg0, %c0_i32_0 : i32, i32, i32
  }
  func.func @transform_4(%arg0: i32) -> (i32, i32) {
    %c0_i32 = arith.constant 0 : i32
    %c0_i32_0 = arith.constant 0 : i32
    %c0_i32_1 = arith.constant 0 : i32
    return %c0_i32, %c0_i32_0 : i32, i32
  }
  func.func @transform_5(%arg0: i32) -> (i32, i32) {
    %c0_i32 = arith.constant 0 : i32
    %c0_i32_0 = arith.constant 0 : i32
    %c0_i32_1 = arith.constant 0 : i32
    return %c0_i32, %c0_i32_0 : i32, i32
  }
  func.func @transform_6(%arg0: i32) -> (i32, i32) {
    %c0_i32 = arith.constant 0 : i32
    %c0_i32_0 = arith.constant 0 : i32
    %c0_i32_1 = arith.constant 0 : i32
    return %c0_i32, %c0_i32_0 : i32, i32
  }
  func.func @transform_7(%arg0: i32) -> (i32, i32) {
    %c0_i32 = arith.constant 0 : i32
    %c0_i32_0 = arith.constant 0 : i32
    %c0_i32_1 = arith.constant 0 : i32
    return %c0_i32, %c0_i32_0 : i32, i32
  }
  func.func @transform_8(%arg0: i32) -> (i32, i32) {
    %c0_i32 = arith.constant 0 : i32
    %c0_i32_0 = arith.constant 0 : i32
    return %arg0, %c0_i32 : i32, i32
  }
}

</mosaic_0001>

<sc_bundles>
// kernel: kernel.11.cloned.1.call-start
scs
__scs_entry_jumppad:
0x0: {  	(pc) =	sbr.rel $0x88, $3  }
0x1: {  	(tag) =	ssettag $0x0;
	lr =	simm.s32 $0x1  }
0x2: {  	[smem:$0x3F93] =	sst lr;
	_ =	strace $0xD0000000  }
0x3: {  	_ = 	snop  }
0x4: {  	_ = 	snop  }
0x5: {  	_ = 	snop  }
0x6: {  	_ = 	snop  }
0x7: {  	_ = 	snop  }
__scs_overlays_trampoline_lowered:
0x8: {  	[smem:$0x3FA2] =	sst s0  }
0x9: {  	[smem:$0x3FA3] =	sst s1  }
0xa: {  	[smem:$0x3FA4] =	sst s2  }
0xb: {  	[smem:$0x3FA5] =	sst s3  }
0xc: {  	[smem:$0x3FA6] =	sst s4  }
0xd: {  	[smem:$0x3FA7] =	sst s5  }
0xe: {  	[smem:$0x3FA8] =	sst s6  }
0xf: {  	[smem:$0x3FA9] =	sst s7  }
0x10: {  	[smem:$0x3FAA] =	sst s8  }
0x11: {  	[smem:$0x3FAB] =	sst s9;
	s0 =	simm.s32 @!p0 $0x0  }
0x12: {  	s1 =	sld [smem:$0x3F91];
	s0 =	simm.s32 @p0 $0x1  }
0x13: {  	[smem:$0x3FAC] =	sst s0;
	s0 =	simm.s32 @!p1 $0x0  }
0x14: {  	s2 =	sld [smem:$0x3F90];
	s0 =	simm.s32 @p1 $0x1  }
0x15: {  	[smem:$0x3FAD] =	sst s0;
	s0 =	simm.s32 @!p2 $0x0  }
0x16: {  	s3 =	sld [smem:$0x3FDB];
	s0 =	simm.s32 @p2 $0x1  }
0x17: {  	s4 =	simm.s32 $0x1BF5;
	[smem:$0x3FAF] =	sst s0  }
0x18: {  	s0 =	sld [smem:$0x3F92];
	_ =	swait.ge [sflag:s4], $0x0  }
0x19: {  	s7 =	sld [smem:$0x3F93]  }
0x1a: {  	s8 =	sadd.s32 $0xFFFFE003, lr  }
0x1b: {  	s9 =	sadd.s32 $0xFFFFFEF7, lr;
	s5 =	simm.s32 $0xFFFFFFFF;
	p2 =	slt.u32 s8, $0xFFFFF086  }
0x1c: {  	p1 =	slt.u32 s9, $0xF7A;
	s5 =	simm.s32 @!p2 $0x0  }
0x1d: {  	s5 =	simm.s32 @p1 $0x1;
	p0 =	seq.s32 s7, s2  }
0x1e: {  	s7 =	smul.u32 @!p0 $0xF7A, s2;
	p2 =	seq.s32 @!p0 s5, $0x0  }
0x1f: {  	s9 =	smul.u32 $0xF7A, s1;
	s8 =	simm.s32 @!p0 $0x1BF5;
	p2 =	por !p2, p0  }
0x20: {  	[sflag:s8] =	ssyncset.s32 @!p0 $0xFFFFF086;
	s6 =	sadd.s32 @!p0 s3, s7;
	s7 =	simm.s32 @!p0 $0x108  }
0x21: {  	s3 =	sadd.s32 s3, s9;
	s6 =	sadd.s32 @!p0 $0x88, s6;
	s7 =	simm.s32 @p2 $0x1082  }
0x22: {  	[simem:s7], [sflag:s8] =	dma.local @!p0 [hbm:s6], $0xF7A  }
0x23: {  	s9 =	sor.u32 $0xD0000000, s2;
	s6 =	simm.s32 $0x108;
	_ =	swait.ge @!p0 [sflag:s8], $0x0  }
0x24: {  	s3 =	sadd.s32 $0x88, s3;
	s6 =	simm.s32 @!p1 $0x1082;
	[sflag:s4] =	ssyncset.s32 $0xFFFFF086  }
0x25: {  	[simem:s6], [sflag:s4] =	dma.local [hbm:s3], $0xF7A  }
0x26: {  	[smem:$0x3F93] =	sst s1;
	(tag) =	ssettag s2;
	_ =	strace s9  }
0x27: {  	s1 =	sld [smem:$0x3FA3]  }
0x28: {  	s2 =	sld [smem:$0x3FA4]  }
0x29: {  	s4 =	sld [smem:$0x3FA6]  }
0x2a: {  	p0 =	seq.s32 s5, $0x0;
	s5 =	sld [smem:$0x3FA7]  }
0x2b: {  	s6 =	sld [smem:$0x3FA8]  }
0x2c: {  	s7 =	sld [smem:$0x3FA9]  }
0x2d: {  	s3 =	simm.s32 $0x108;
	s8 =	sld [smem:$0x3FAA]  }
0x2e: {  	s3 =	simm.s32 @!p0 $0x1082;
	s9 =	sld [smem:$0x3FAB]  }
0x2f: {  	lr =	sadd.s32 s0, s3;
	s0 =	sld [smem:$0x3FA2]  }
0x30: {  	s3 =	sld [smem:$0x3FA5]  }
0x31: {  	[smem:$0x3FAE] =	sst s10  }
0x32: {  	s10 =	sld [smem:$0x3FAC];
	_ =	sdelay $0x3  }
0x33: {  	p0 =	seq.s32 s10, $0x1;
	s10 =	sld [smem:$0x3FAE];
	_ =	sdelay $0x3  }
0x34: {  	[smem:$0x3FAE] =	sst s10  }
0x35: {  	s10 =	sld [smem:$0x3FAD];
	_ =	sdelay $0x3  }
0x36: {  	p1 =	seq.s32 s10, $0x1;
	s10 =	sld [smem:$0x3FAE];
	_ =	sdelay $0x3  }
0x37: {  	[smem:$0x3FAE] =	sst s10  }
0x38: {  	s10 =	sld [smem:$0x3FAF]  }
0x39: {  	_ = 	snop;
	(pc) =	sbr.ind lr, $3  }
0x3a: {  	_ = 	snop  }
0x3b: {  	_ = 	snop  }
0x3c: {  	p2 =	seq.s32 s10, $0x1;
	s10 =	sld [smem:$0x3FAE]  }
0x3d: {  	_ =	shalt  }
0x3e: {  	_ =	shalt  }
0x3f: {  	_ =	shalt  }
0x40: {  	_ =	shalt  }
0x41: {  	_ =	shalt  }
0x42: {  	_ =	shalt  }
0x43: {  	_ =	shalt  }
0x44: {  	_ =	shalt  }
0x45: {  	_ =	shalt  }
0x46: {  	_ =	shalt  }
0x47: {  	_ =	shalt  }
0x48: {  	_ =	shalt  }
0x49: {  	_ =	shalt  }
0x4a: {  	_ =	shalt  }
0x4b: {  	_ =	shalt  }
0x4c: {  	_ =	shalt  }
0x4d: {  	_ =	shalt  }
0x4e: {  	_ =	shalt  }
0x4f: {  	_ =	shalt  }
0x50: {  	_ =	shalt  }
0x51: {  	_ =	shalt  }
0x52: {  	_ =	shalt  }
0x53: {  	_ =	shalt  }
0x54: {  	_ =	shalt  }
0x55: {  	_ =	shalt  }
0x56: {  	_ =	shalt  }
0x57: {  	_ =	shalt  }
0x58: {  	_ =	shalt  }
0x59: {  	_ =	shalt  }
0x5a: {  	_ =	shalt  }
0x5b: {  	_ =	shalt  }
0x5c: {  	_ =	shalt  }
0x5d: {  	_ =	shalt  }
0x5e: {  	_ =	shalt  }
0x5f: {  	_ =	shalt  }
0x60: {  	_ =	shalt  }
0x61: {  	_ =	shalt  }
0x62: {  	_ =	shalt  }
0x63: {  	_ =	shalt  }
0x64: {  	_ =	shalt  }
0x65: {  	_ =	shalt  }
0x66: {  	_ =	shalt  }
0x67: {  	_ =	shalt  }
0x68: {  	_ =	shalt  }
0x69: {  	_ =	shalt  }
0x6a: {  	_ =	shalt  }
0x6b: {  	_ =	shalt  }
0x6c: {  	_ =	shalt  }
0x6d: {  	_ =	shalt  }
0x6e: {  	_ =	shalt  }
0x6f: {  	_ =	shalt  }
0x70: {  	_ =	shalt  }
0x71: {  	_ =	shalt  }
0x72: {  	_ =	shalt  }
0x73: {  	_ =	shalt  }
0x74: {  	_ =	shalt  }
0x75: {  	_ =	shalt  }
0x76: {  	_ =	shalt  }
0x77: {  	_ =	shalt  }
0x78: {  	_ =	shalt  }
0x79: {  	_ =	shalt  }
0x7a: {  	_ =	shalt  }
0x7b: {  	_ =	shalt  }
0x7c: {  	_ =	shalt  }
0x7d: {  	_ =	shalt  }
0x7e: {  	_ =	shalt  }
0x7f: {  	_ =	shalt  }
0x80: {  	_ =	shalt  }
0x81: {  	_ =	shalt  }
0x82: {  	_ =	shalt  }
0x83: {  	_ =	shalt  }
0x84: {  	_ =	shalt  }
0x85: {  	_ =	shalt  }
0x86: {  	_ =	shalt  }
0x87: {  	_ =	shalt  }
.Lfunc_end0:
.L_simem_size_0:
called_computation.1_lowered:
.L_overlay_start_0:
0x88: {  	s2 =	sld [smem:$0x3FD9]  }
0x89: {  	s3 =	sld [smem:$0x3FFE];
	_ =	sdelay $0x1  }
0x8a: {  	s1 =	srdreg.scid  }
0x8b: {  	s0 =	sand.u32 $0x1, s1  }
0x8c: {  	s17 =	sshll.u32 s0, $0xA;
	s2 =	sadd.s32 s3, s2  }
0x8d: {  	s2 =	sadd.s32 s2, s17  }
0x8e: {  	[smem:$0x3FBA] =	sst s2  }
0x8f: {  	_ = 	snop  }
0x90: {  	s2 =	sld [smem:$0x3FD0];
	(tm) =	ssettm $0x1  }
0x91: {  	s18 =	sld [smem:$0x3FFB];
	_ =	sdelay $0x3  }
0x92: {  	_ =	strace s18  }
0x93: {  	s3 =	sld [smem:$0x3FFC];
	_ =	sdelay $0x3  }
0x94: {  	_ =	strace s3  }
0x95: {  	s3 =	sld [smem:$0x3FFD];
	_ =	sdelay $0x3  }
0x96: {  	_ =	strace s3  }
0x97: {  	_ =	strace $0x8FFFFFFF  }
0x98: {  	s19 =	sld [smem:$0x3FDB];
	_ =	sdelay $0x1  }
0x99: {  	s4 =	simm.s32 $_scs_section_size  }
0x9a: {  	s5 =	simm.s32 $_size__tile_overlayer_lowered;
	s6 =	simm.s32 $_tile_overlayer_lowered  }
0x9b: {  	s22 =	simm.s32 $0x1BFF;
	s21 =	sshll.u32 s6, $0x1;
	s3 =	sadd.s32 s4, s19  }
0x9c: {  	s7 =	simm.s32 $0x0;
	s20 =	sshll.u32 s5, $0x1;
	s5 =	sadd.s32 s21, s3  }
0x9d: {  	[timem:s7], [sflag:s22] =	dma.local [hbm:s5], s20  }
0x9e: {  	_ =	swait.ge [sflag:s22], s20  }
0x9f: {  	s4 =	ssub.s32 $0x0, s20;
	[sflag:s22] =	ssyncset.done $0x0  }
0xa0: {  	[sflag:s22] =	ssyncadd.s32 s4;
	_ =	sdelay $0x1  }
0xa1: {  	s23 =	simm.s32 $0x1B8B  }
0xa2: {  	_ =	swait.ge [sflag:s23], $0x1  }
0xa3: {  	[sflag:s23] =	ssyncset.done $0x0  }
0xa4: {  	s25 =	simm.s32 $0x1B8E;
	s24 =	sld [smem:$0x3FFE];
	[sflag:s23] =	ssyncadd.s32 $0xFFFFFFFF  }
0xa5: {  	s26 =	simm.s32 $execute0_lowered;
	[smem:$0x3FD2] =	sst s25  }
0xa6: {  	s5 =	sshll.u32 s26, $0x1;
	_ =	strace $0x80000049;
	[dreg:$0x1] =	wrdreg $0xFFFFFFFF  }
0xa7: {  	s28 =	simm.s32 $_size_execute0_lowered;
	s3 =	sadd.s32 s3, s5;
	[dreg:$0x0] =	wrdreg $0x0  }
0xa8: {  	s5 =	sshll.u32 s28, $0x1;
	[dreg:$0x2] =	wrdreg s3  }
0xa9: {  	[dreg:$0x3] =	wrdreg s5  }
0xaa: {  	[dreg:$0x4] =	wrdreg $0xC0  }
0xab: {  	_ =	task [dreg:s7], $0x5FFFF  }
0xac: {  	[dreg:$0x1] =	wrdreg $0xFFFFFFFF  }
0xad: {  	[dreg:$0x0] =	wrdreg $0x60  }
0xae: {  	[dreg:$0x2] =	wrdreg s2  }
0xaf: {  	[dreg:$0x3] =	wrdreg s24  }
0xb0: {  	[dreg:$0x4] =	wrdreg $0x0  }
0xb1: {  	[dreg:$0x5] =	wrdreg $0x9  }
0xb2: {  	_ =	task.clear_ibuf [dreg:s7], $0x6FFFF;
	_ =	strace $0x90000049  }
0xb3: {  	s29 =	simm.s32 $0x9;
	_ =	strace $0x8000004B  }
0xb4: {  	_ =	swait.ge [sflag:s29], $0x1  }
0xb5: {  	[sflag:s29] =	ssyncadd.s32 $0xFFFFFFFF  }
0xb6: {  	_ =	strace $0x9000004B  }
0xb7: {  	_ =	sfence  }
0xb8: {  	s30 =	sld [smem:$0x0];
	_ =	sdelay $0x2  }
0xb9: {  	s31 =	sshll.u32 s1, $0xD;
	s1 =	sshrl.u32 s1, $0x2  }
0xba: {  	s3 =	sand.u32 $0x4000, s31;
	s1 =	sadd.s32 s1, s30  }
0xbb: {  	s0 =	sor.u32 s3, s0;
	s1 =	sshll.u32 s1, $0x11  }
0xbc: {  	s0 =	sor.u32 s1, s0  }
0xbd: {  	s0 =	sadd.s32 $0x8F2B, s0  }
0xbe: {  	[sflag:s0] =	ssyncadd.remote.s32 $0x1  }
0xbf: {  	_ =	sfence.sel $0xFFFF  }
0xc0: {  	[dreg:$0x0] =	wrdreg $0xFFFFFFFF;
	(pc) =	sbr.abs _section_cstart, $3  }
0xc1: {  	[dreg:$0x1] =	wrdreg $0xFFFFFFFF  }
0xc2: {  	_ =	task.clear_ibuf [dreg:s7], $0x2FFFF;
	_ =	strace $0x9FFFFFFF  }
0xc3: {  	(tm) =	ssettm $0x7FFFFFFF  }
tec
execute0_lowered:
.L_overlay_start_1:
0x0: {  	(tag) =	ssettag $0x1  }
0x1: {  	s1 =	rddreg [dreg:$0x0]  }
0x2: {  	s0 =	rddreg [dreg:$0x1]  }
0x3: {  	s2 =	rddreg [dreg:$0x2];
	s4 =	simm.s32 $0x0;
	s3 =	srdreg.scid  }
0x4: {  	s13 =	stileid.u32;
	s28 =	simm.s32 $0x1A800;
	s30 =	simm.s32 $0x1D000  }
0x5: {  	s31 =	simm.s32 $0x1;
	s29 =	simm.s32 $0x3;
	[smem:$0x7FF] =	sst s4  }
0x6: {  	s3 =	sand.u32 $0x1, s3;
	s6 =	sshll.u32 s13, $0xF;
	s9 =	smul.u32 $0x14000, s13  }
0x7: {  	s5 =	sadd.s32 $0x3E00, s0;
	s17 =	smul.u32 $0x50000, s13;
	s20 =	sshll.u32 s13, $0x6  }
0x8: {  	s7 =	smul.u32 $0x140000, s3;
	s8 =	sshll.u32 s3, $0xE;
	_ =	strace $0x8000004A  }
0x9: {  	s3 =	ssub.s32 $0x2, s3;
	s6 =	sor.u32 s8, s6;
	s18 =	sshrl.u32 s17, $0x2  }
0xa: {  	s19 =	sshrl.u32 s3, $0x1;
	s10 =	sshrl.u32 s6, $0x3;
	s16 =	sadd.s32 s9, s7  }
0xb: {  	s7 =	sadd.s32 $0x13E00, s0;
	s12 =	sadd.s32 s18, s2;
	s3 =	ssub.s32 s3, s19  }
0xc: {  	s11 =	sadd.s32 s10, s0;
	s8 =	sshrl.u32 s16, $0x3;
	s21 =	sadd.s32 $0x5000, s12  }
0xd: {  	s18 =	sadd.s32 $0xA000, s12;
	s19 =	sadd.s32 $0xF000, s12;
	s9 =	sadd.s32 s5, s10  }
0xe: {  	s25 =	smax.u32 s3, $0x1;
	s15 =	sshrl.u32 s12, $0x3;
	s16 =	simm.s32 $0x7  }
0xf: {  	s3 =	simm.s32 $0x2;
	s10 =	simm.s32 $0x6;
	s0 =	sadd.s32 s8, s0  }
0x10: {  	s8 =	sor.u32 $0x1C07, s20;
	s22 =	sadd.s32 $0x64800, s11;
	s23 =	sadd.s32 $0x10, s9  }
0x11: {  	s24 =	sadd.s32 $0x20, s9;
	[dreg:$0x8] =	wrdreg s25;
	s26 =	sshrl.u32 s21, $0x3  }
0x12: {  	s18 =	sshrl.u32 s18, $0x3;
	s19 =	sshrl.u32 s19, $0x3;
	[dreg:$0x4] =	wrdreg s22  }
.Ltmp0:
0x13: {  	s20 =	simm.s32 $0x14000;
	[dreg:$0x5] =	wrdreg s23;
	(pc) =	sbr.rel .LBB2_1-.Ltmp0, $4  }
0x14: {  	s21 =	simm.s32 $0x1F800;
	s25 =	simm.s32 $0x18000;
	[dreg:$0x6] =	wrdreg s24  }
0x15: {  	s11 =	simm.s32 $0x0;
	s0 =	sadd.s32 $0x74800, s0;
	[dreg:$0x9] =	wrdreg s26  }
0x16: {  	s22 =	simm.s32 $0x1F880;
	s23 =	simm.s32 $0x1F900;
	s24 =	simm.s32 $0x50  }
0x17: {  	s26 =	simm.s32 $0x5;
	[dreg:$0x7] =	wrdreg s0;
	s0 =	simm.s32 $0x4  }
.LBB2_4:
0x18: {  	_ =	swait.ge [sflag:s31], $0x2800  }
0x19: {  	[sflag:s31] =	ssyncset.done $0x0  }
0x1a: {  	[sflag:s31] =	ssyncadd.s32 $0xFFFFD800  }
0x1b: {  	_ =	swait.ge [sflag:s0], $0x80  }
0x1c: {  	[sflag:s0] =	ssyncset.done $0x0  }
0x1d: {  	[sflag:s0] =	ssyncadd.s32 $0xFFFFFF80  }
0x1e: {  	[spmem:s2] =	stream.indirect.scatter.add.f32 [tilespmem:s25], [sflag:$0x7], $0x80, s21, s24, $0xb8;
	[tilespmem:$0x1F980] =	vst v63  }
0x1f: {  	_ =	swait.ge [sflag:s16], $0x2800  }
0x20: {  	[sflag:s16] =	ssyncset.done $0x0  }
0x21: {  	[sflag:s16] =	ssyncadd.s32 $0xFFFFD800  }
0x22: {  	_ =	swait.ge [sflag:s3], $0x2800  }
0x23: {  	[sflag:s3] =	ssyncset.done $0x0  }
0x24: {  	[sflag:s3] =	ssyncadd.s32 $0xFFFFD800  }
0x25: {  	_ =	swait.ge [sflag:s26], $0x80  }
0x26: {  	[sflag:s26] =	ssyncset.done $0x0  }
0x27: {  	[sflag:s26] =	ssyncadd.s32 $0xFFFFFF80  }
0x28: {  	[spmem:s2] =	stream.indirect.scatter.add.f32 [tilespmem:s28], [sflag:$0x7], $0x80, s22, s24, $0xb8;
	[tilespmem:$0x1F980] =	vst v63  }
0x29: {  	_ =	swait.ge [sflag:s16], $0x2800  }
0x2a: {  	[sflag:s16] =	ssyncset.done $0x0  }
0x2b: {  	[sflag:s16] =	ssyncadd.s32 $0xFFFFD800  }
0x2c: {  	[bflag:$0x0] =	sbarrier.arrive $0xFFFF  }
0x2d: {  	s12 =	rddreg [dreg:$0x7]  }
0x2e: {  	[hbm:s12], [sflag:s8] =	dma.local [spmem:s15], $0x2800  }
0x2f: {  	_ =	swait.ge [sflag:s16], $0x2800  }
0x30: {  	s11 =	sadd.s32 $0x1, s11;
	s17 =	rddreg [dreg:$0x8]  }
0x31: {  	p0 =	sne.s32 s11, s17  }
.Ltmp1:
0x32: {  	_ = 	snop;
	(pc) =	sbr.rel @!p0 .LBB2_5-.Ltmp1, $3  }
0x33: {  	_ =	sdelay $0x1  }
0x34: {  	[sflag:s16] =	ssyncset.done $0x0  }
0x35: {  	[sflag:s16] =	ssyncadd.s32 $0xFFFFD800  }
.LBB2_1:
0x36: {  	[spmem:s15], [sflag:s8] =	dma.local [hbm:s7], $0xA00  }
0x37: {  	_ =	swait.ge [sflag:s16], $0xA00  }
0x38: {  	[sflag:s16] =	ssyncset.done $0x0  }
0x39: {  	s12 =	rddreg [dreg:$0x9];
	[sflag:s16] =	ssyncadd.s32 $0xFFFFF600  }
0x3a: {  	[spmem:s12], [sflag:s8] =	dma.local [hbm:s7], $0xA00  }
0x3b: {  	_ =	swait.ge [sflag:s16], $0xA00  }
0x3c: {  	[sflag:s16] =	ssyncset.done $0x0  }
0x3d: {  	[sflag:s16] =	ssyncadd.s32 $0xFFFFF600  }
0x3e: {  	[spmem:s18], [sflag:s8] =	dma.local [hbm:s7], $0xA00  }
0x3f: {  	_ =	swait.ge [sflag:s16], $0xA00  }
0x40: {  	[sflag:s16] =	ssyncset.done $0x0  }
0x41: {  	[sflag:s16] =	ssyncadd.s32 $0xFFFFF600  }
0x42: {  	[spmem:s19], [sflag:s8] =	dma.local [hbm:s7], $0xA00  }
0x43: {  	_ =	swait.ge [sflag:s16], $0xA00  }
0x44: {  	[sflag:s16] =	ssyncset.done $0x0  }
0x45: {  	s14 =	rddreg [dreg:$0x4];
	[sflag:s16] =	ssyncadd.s32 $0xFFFFF600  }
0x46: {  	[tilespmem:s20], [sflag:$0x7] =	stream.linear.gather [hbm4b:s14+s4], $0x3E80, $0x38;
	[tilespmem:$0x1F980] =	vst v63  }
0x47: {  	_ =	swait.ge [sflag:s16], $0x3E80  }
0x48: {  	[sflag:s16] =	ssyncset.done $0x0  }
0x49: {  	[sflag:s16] =	ssyncadd.s32 $0xFFFFC180  }
0x4a: {  	[bflag:$0x0] =	sbarrier.arrive $0xFFFF  }
0x4b: {  	[tilespmem:s21], [sflag:$0x4] =	stream.linear.gather [hbm4b:s9+s4], $0x80, $0x38;
	[tilespmem:$0x1F980] =	vst v63  }
0x4c: {  	s17 =	rddreg [dreg:$0x5]  }
0x4d: {  	[tilespmem:s22], [sflag:$0x5] =	stream.linear.gather [hbm4b:s17+s4], $0x80, $0x38;
	[tilespmem:$0x1F980] =	vst v63  }
0x4e: {  	s13 =	rddreg [dreg:$0x6]  }
0x4f: {  	[tilespmem:s23], [sflag:$0x6] =	stream.linear.gather [hbm4b:s13+s4], $0x80, $0x38;
	[tilespmem:$0x1F980] =	vst v63  }
0x50: {  	_ = 	snop  }
0x51: {  	[tilespmem:s25], [sflag:$0x1] =	stream.indirect.gather [hbm4b:s1+s24], $0x80, s20, s24, $0xb8;
	[tilespmem:$0x1F980] =	vst v63  }
0x52: {  	s14 =	simm.s32 $0x14080  }
0x53: {  	[tilespmem:s28], [sflag:$0x2] =	stream.indirect.gather [hbm4b:s1+s24], $0x80, s14, s24, $0xb8;
	[tilespmem:$0x1F980] =	vst v63  }
0x54: {  	s12 =	simm.s32 $0x14280;
	s17 =	simm.s32 $0x14100;
	s13 =	simm.s32 $0x280  }
0x55: {  	[tilespmem:s30], [sflag:$0x3] =	stream.indirect.gather [hbm4b:s1+s24], $0x80, s17, s24, $0xb8;
	[tilespmem:$0x1F980] =	vst v63  }
.LBB2_2:
0x56: {  	_ =	swait.ge [sflag:s31], $0x2800  }
0x57: {  	[sflag:s31] =	ssyncset.done $0x0  }
0x58: {  	[sflag:s31] =	ssyncadd.s32 $0xFFFFD800  }
0x59: {  	_ =	swait.ge [sflag:s0], $0x80  }
0x5a: {  	[sflag:s0] =	ssyncset.done $0x0  }
0x5b: {  	[sflag:s0] =	ssyncadd.s32 $0xFFFFFF80  }
0x5c: {  	[spmem:s2] =	stream.indirect.scatter.add.f32 [tilespmem:s25], [sflag:$0x7], $0x80, s21, s24, $0xb8;
	[tilespmem:$0x1F980] =	vst v63  }
0x5d: {  	_ =	swait.ge [sflag:s16], $0x2800  }
0x5e: {  	[sflag:s16] =	ssyncset.done $0x0  }
0x5f: {  	s14 =	sadd.s32 $0xFFFFFF00, s12;
	[sflag:s16] =	ssyncadd.s32 $0xFFFFD800  }
0x60: {  	[tilespmem:s25], [sflag:$0x1] =	stream.indirect.gather [hbm4b:s1+s24], $0x80, s14, s24, $0xb8;
	[tilespmem:$0x1F980] =	vst v63  }
0x61: {  	s14 =	sadd.s32 $0xFFFFFF00, s13  }
0x62: {  	s17 =	sand.u32 $0xFC00, s14  }
0x63: {  	s14 =	sand.u32 $0x380, s14;
	s17 =	sadd.s32 s6, s17  }
0x64: {  	s14 =	sor.u32 s14, s17  }
0x65: {  	s14 =	sshrl.u32 s14, $0x3  }
0x66: {  	s14 =	sadd.s32 s5, s14  }
0x67: {  	[tilespmem:s21], [sflag:$0x4] =	stream.linear.gather [hbm4b:s14+s4], $0x80, $0x38;
	[tilespmem:$0x1F980] =	vst v63  }
0x68: {  	_ =	swait.ge [sflag:s3], $0x2800  }
0x69: {  	[sflag:s3] =	ssyncset.done $0x0  }
0x6a: {  	[sflag:s3] =	ssyncadd.s32 $0xFFFFD800  }
0x6b: {  	_ =	swait.ge [sflag:s26], $0x80  }
0x6c: {  	[sflag:s26] =	ssyncset.done $0x0  }
0x6d: {  	[sflag:s26] =	ssyncadd.s32 $0xFFFFFF80  }
0x6e: {  	[spmem:s2] =	stream.indirect.scatter.add.f32 [tilespmem:s28], [sflag:$0x7], $0x80, s22, s24, $0xb8;
	[tilespmem:$0x1F980] =	vst v63  }
0x6f: {  	_ =	swait.ge [sflag:s16], $0x2800  }
0x70: {  	[sflag:s16] =	ssyncset.done $0x0  }
0x71: {  	s17 =	sadd.s32 $0xFFFFFF80, s12;
	s14 =	sadd.s32 $0xFFFFFF80, s13;
	[sflag:s16] =	ssyncadd.s32 $0xFFFFD800  }
0x72: {  	[tilespmem:s28], [sflag:$0x2] =	stream.indirect.gather [hbm4b:s1+s24], $0x80, s17, s24, $0xb8;
	[tilespmem:$0x1F980] =	vst v63  }
0x73: {  	s17 =	sand.u32 $0xFC00, s14  }
0x74: {  	s14 =	sand.u32 $0x380, s14;
	s17 =	sadd.s32 s6, s17  }
0x75: {  	s14 =	sor.u32 s14, s17  }
0x76: {  	s14 =	sshrl.u32 s14, $0x3  }
0x77: {  	s14 =	sadd.s32 s5, s14  }
0x78: {  	[tilespmem:s22], [sflag:$0x5] =	stream.linear.gather [hbm4b:s14+s4], $0x80, $0x38;
	[tilespmem:$0x1F980] =	vst v63  }
0x79: {  	_ =	swait.ge [sflag:s29], $0x2800  }
0x7a: {  	[sflag:s29] =	ssyncset.done $0x0  }
0x7b: {  	[sflag:s29] =	ssyncadd.s32 $0xFFFFD800  }
0x7c: {  	_ =	swait.ge [sflag:s10], $0x80  }
0x7d: {  	p0 =	seq.s32 s13, $0x3E80;
	[sflag:s10] =	ssyncset.done $0x0  }
.Ltmp2:
0x7e: {  	[sflag:s10] =	ssyncadd.s32 $0xFFFFFF80;
	(pc) =	sbr.rel @p0 .LBB2_4-.Ltmp2, $4  }
0x7f: {  	[spmem:s2] =	stream.indirect.scatter.add.f32 [tilespmem:s30], [sflag:$0x7], $0x80, s23, s24, $0xb8;
	[tilespmem:$0x1F980] =	vst v63  }
0x80: {  	_ =	swait.ge [sflag:s16], $0x2800  }
0x81: {  	[sflag:s16] =	ssyncset.done $0x0  }
0x82: {  	[sflag:s16] =	ssyncadd.s32 $0xFFFFD800  }
0x83: {  	[tilespmem:s30], [sflag:$0x3] =	stream.indirect.gather [hbm4b:s1+s24], $0x80, s12, s24, $0xb8;
	[tilespmem:$0x1F980] =	vst v63  }
0x84: {  	s14 =	sand.u32 $0xFC00, s13  }
.Ltmp3:
0x85: {  	s17 =	sand.u32 $0x380, s13;
	s14 =	sadd.s32 s6, s14;
	(pc) =	sbr.rel .LBB2_2-.Ltmp3, $4  }
0x86: {  	s14 =	sor.u32 s17, s14  }
0x87: {  	s14 =	sshrl.u32 s14, $0x3  }
0x88: {  	s12 =	sadd.s32 $0x180, s12;
	s13 =	sadd.s32 $0x180, s13;
	s14 =	sadd.s32 s5, s14  }
0x89: {  	[tilespmem:s23], [sflag:$0x6] =	stream.linear.gather [hbm4b:s14+s4], $0x80, $0x38;
	[tilespmem:$0x1F980] =	vst v63  }
.LBB2_5:
0x8a: {  	_ =	sfence.sel $0x180000  }
0x8b: {  	[bflag:$0x0] =	sbarrier.arrive $0xFFFF  }
0x8c: {  	_ =	strace $0x9000004A  }
0x8d: {  	s0 =	stileid.u32;
	[bflag:$0x2] =	sbarrier.arrive $0xFFFF  }
0x8e: {  	p0 =	sne.s32 s0, $0x0;
	s0 =	rddreg [dreg:$0x3]  }
0x8f: {  	s0 =	sadd.s32 @!p0 $0x100000, s0  }
0x90: {  	[sflag:s0] =	ssyncadd.tile.s32 @!p0 $0x1;
	_ =	shalt  }
.Lfunc_end2:
_tile_overlayer_lowered:
.L_overlay_start_2:
0x91: {  	(tag) =	ssettag $0x2  }
0x92: {  	s0 =	rddreg [dreg:$0x0];
	s2 =	stileid.u32  }
0x93: {  	s1 =	rddreg [dreg:$0x1];
	p0 =	sne.s32 s2, $0x0  }
0x94: {  	s3 =	rddreg [dreg:$0x2];
	[bflag:$0x3] =	sbarrier.arrive $0xFFFF;
	s2 =	simm.s32 @!p0 $0x1C07  }
0x95: {  	[timem:s3], [sflag:s2] =	dma.local @!p0 [hbm:s0], s1  }
0x96: {  	s0 =	simm.s32 @!p0 $0x7  }
0x97: {  	_ =	swait.ge @!p0 [sflag:s0], s1  }
0x98: {  	s1 =	ssub.s32 @!p0 $0x0, s1;
	[sflag:s0] =	ssyncset.done @!p0 $0x0  }
0x99: {  	[sflag:s0] =	ssyncadd.s32 @!p0 s1  }
0x9a: {  	[bflag:$0x3] =	sbarrier.arrive $0xFFFF  }
0x9b: {  	_ =	shalt  }

// kernel: kernel.14.cloned.1.call-start
scs
__scs_entry_jumppad:
0x0: {  	(pc) =	sbr.rel $0x88, $3  }
0x1: {  	(tag) =	ssettag $0x0;
	lr =	simm.s32 $0x1  }
0x2: {  	[smem:$0x3F93] =	sst lr;
	_ =	strace $0xD0000000  }
0x3: {  	_ = 	snop  }
0x4: {  	_ = 	snop  }
0x5: {  	_ = 	snop  }
0x6: {  	_ = 	snop  }
0x7: {  	_ = 	snop  }
__scs_overlays_trampoline_lowered:
0x8: {  	[smem:$0x3FA2] =	sst s0  }
0x9: {  	[smem:$0x3FA3] =	sst s1  }
0xa: {  	[smem:$0x3FA4] =	sst s2  }
0xb: {  	[smem:$0x3FA5] =	sst s3  }
0xc: {  	[smem:$0x3FA6] =	sst s4  }
0xd: {  	[smem:$0x3FA7] =	sst s5  }
0xe: {  	[smem:$0x3FA8] =	sst s6  }
0xf: {  	[smem:$0x3FA9] =	sst s7  }
0x10: {  	[smem:$0x3FAA] =	sst s8  }
0x11: {  	[smem:$0x3FAB] =	sst s9;
	s0 =	simm.s32 @!p0 $0x0  }
0x12: {  	s1 =	sld [smem:$0x3F91];
	s0 =	simm.s32 @p0 $0x1  }
0x13: {  	[smem:$0x3FAC] =	sst s0;
	s0 =	simm.s32 @!p1 $0x0  }
0x14: {  	s2 =	sld [smem:$0x3F90];
	s0 =	simm.s32 @p1 $0x1  }
0x15: {  	[smem:$0x3FAD] =	sst s0;
	s0 =	simm.s32 @!p2 $0x0  }
0x16: {  	s3 =	sld [smem:$0x3FDB];
	s0 =	simm.s32 @p2 $0x1  }
0x17: {  	s4 =	simm.s32 $0x1BF5;
	[smem:$0x3FAF] =	sst s0  }
0x18: {  	s0 =	sld [smem:$0x3F92];
	_ =	swait.ge [sflag:s4], $0x0  }
0x19: {  	s7 =	sld [smem:$0x3F93]  }
0x1a: {  	s8 =	sadd.s32 $0xFFFFE003, lr  }
0x1b: {  	s9 =	sadd.s32 $0xFFFFFEF7, lr;
	s5 =	simm.s32 $0xFFFFFFFF;
	p2 =	slt.u32 s8, $0xFFFFF086  }
0x1c: {  	p1 =	slt.u32 s9, $0xF7A;
	s5 =	simm.s32 @!p2 $0x0  }
0x1d: {  	s5 =	simm.s32 @p1 $0x1;
	p0 =	seq.s32 s7, s2  }
0x1e: {  	s7 =	smul.u32 @!p0 $0xF7A, s2;
	p2 =	seq.s32 @!p0 s5, $0x0  }
0x1f: {  	s9 =	smul.u32 $0xF7A, s1;
	s8 =	simm.s32 @!p0 $0x1BF5;
	p2 =	por !p2, p0  }
0x20: {  	[sflag:s8] =	ssyncset.s32 @!p0 $0xFFFFF086;
	s6 =	sadd.s32 @!p0 s3, s7;
	s7 =	simm.s32 @!p0 $0x108  }
0x21: {  	s3 =	sadd.s32 s3, s9;
	s6 =	sadd.s32 @!p0 $0x88, s6;
	s7 =	simm.s32 @p2 $0x1082  }
0x22: {  	[simem:s7], [sflag:s8] =	dma.local @!p0 [hbm:s6], $0xF7A  }
0x23: {  	s9 =	sor.u32 $0xD0000000, s2;
	s6 =	simm.s32 $0x108;
	_ =	swait.ge @!p0 [sflag:s8], $0x0  }
0x24: {  	s3 =	sadd.s32 $0x88, s3;
	s6 =	simm.s32 @!p1 $0x1082;
	[sflag:s4] =	ssyncset.s32 $0xFFFFF086  }
0x25: {  	[simem:s6], [sflag:s4] =	dma.local [hbm:s3], $0xF7A  }
0x26: {  	[smem:$0x3F93] =	sst s1;
	(tag) =	ssettag s2;
	_ =	strace s9  }
0x27: {  	s1 =	sld [smem:$0x3FA3]  }
0x28: {  	s2 =	sld [smem:$0x3FA4]  }
0x29: {  	s4 =	sld [smem:$0x3FA6]  }
0x2a: {  	p0 =	seq.s32 s5, $0x0;
	s5 =	sld [smem:$0x3FA7]  }
0x2b: {  	s6 =	sld [smem:$0x3FA8]  }
0x2c: {  	s7 =	sld [smem:$0x3FA9]  }
0x2d: {  	s3 =	simm.s32 $0x108;
	s8 =	sld [smem:$0x3FAA]  }
0x2e: {  	s3 =	simm.s32 @!p0 $0x1082;
	s9 =	sld [smem:$0x3FAB]  }
0x2f: {  	lr =	sadd.s32 s0, s3;
	s0 =	sld [smem:$0x3FA2]  }
0x30: {  	s3 =	sld [smem:$0x3FA5]  }
0x31: {  	[smem:$0x3FAE] =	sst s10  }
0x32: {  	s10 =	sld [smem:$0x3FAC];
	_ =	sdelay $0x3  }
0x33: {  	p0 =	seq.s32 s10, $0x1;
	s10 =	sld [smem:$0x3FAE];
	_ =	sdelay $0x3  }
0x34: {  	[smem:$0x3FAE] =	sst s10  }
0x35: {  	s10 =	sld [smem:$0x3FAD];
	_ =	sdelay $0x3  }
0x36: {  	p1 =	seq.s32 s10, $0x1;
	s10 =	sld [smem:$0x3FAE];
	_ =	sdelay $0x3  }
0x37: {  	[smem:$0x3FAE] =	sst s10  }
0x38: {  	s10 =	sld [smem:$0x3FAF]  }
0x39: {  	_ = 	snop;
	(pc) =	sbr.ind lr, $3  }
0x3a: {  	_ = 	snop  }
0x3b: {  	_ = 	snop  }
0x3c: {  	p2 =	seq.s32 s10, $0x1;
	s10 =	sld [smem:$0x3FAE]  }
0x3d: {  	_ =	shalt  }
0x3e: {  	_ =	shalt  }
0x3f: {  	_ =	shalt  }
0x40: {  	_ =	shalt  }
0x41: {  	_ =	shalt  }
0x42: {  	_ =	shalt  }
0x43: {  	_ =	shalt  }
0x44: {  	_ =	shalt  }
0x45: {  	_ =	shalt  }
0x46: {  	_ =	shalt  }
0x47: {  	_ =	shalt  }
0x48: {  	_ =	shalt  }
0x49: {  	_ =	shalt  }
0x4a: {  	_ =	shalt  }
0x4b: {  	_ =	shalt  }
0x4c: {  	_ =	shalt  }
0x4d: {  	_ =	shalt  }
0x4e: {  	_ =	shalt  }
0x4f: {  	_ =	shalt  }
0x50: {  	_ =	shalt  }
0x51: {  	_ =	shalt  }
0x52: {  	_ =	shalt  }
0x53: {  	_ =	shalt  }
0x54: {  	_ =	shalt  }
0x55: {  	_ =	shalt  }
0x56: {  	_ =	shalt  }
0x57: {  	_ =	shalt  }
0x58: {  	_ =	shalt  }
0x59: {  	_ =	shalt  }
0x5a: {  	_ =	shalt  }
0x5b: {  	_ =	shalt  }
0x5c: {  	_ =	shalt  }
0x5d: {  	_ =	shalt  }
0x5e: {  	_ =	shalt  }
0x5f: {  	_ =	shalt  }
0x60: {  	_ =	shalt  }
0x61: {  	_ =	shalt  }
0x62: {  	_ =	shalt  }
0x63: {  	_ =	shalt  }
0x64: {  	_ =	shalt  }
0x65: {  	_ =	shalt  }
0x66: {  	_ =	shalt  }
0x67: {  	_ =	shalt  }
0x68: {  	_ =	shalt  }
0x69: {  	_ =	shalt  }
0x6a: {  	_ =	shalt  }
0x6b: {  	_ =	shalt  }
0x6c: {  	_ =	shalt  }
0x6d: {  	_ =	shalt  }
0x6e: {  	_ =	shalt  }
0x6f: {  	_ =	shalt  }
0x70: {  	_ =	shalt  }
0x71: {  	_ =	shalt  }
0x72: {  	_ =	shalt  }
0x73: {  	_ =	shalt  }
0x74: {  	_ =	shalt  }
0x75: {  	_ =	shalt  }
0x76: {  	_ =	shalt  }
0x77: {  	_ =	shalt  }
0x78: {  	_ =	shalt  }
0x79: {  	_ =	shalt  }
0x7a: {  	_ =	shalt  }
0x7b: {  	_ =	shalt  }
0x7c: {  	_ =	shalt  }
0x7d: {  	_ =	shalt  }
0x7e: {  	_ =	shalt  }
0x7f: {  	_ =	shalt  }
0x80: {  	_ =	shalt  }
0x81: {  	_ =	shalt  }
0x82: {  	_ =	shalt  }
0x83: {  	_ =	shalt  }
0x84: {  	_ =	shalt  }
0x85: {  	_ =	shalt  }
0x86: {  	_ =	shalt  }
0x87: {  	_ =	shalt  }
.Lfunc_end0:
.L_simem_size_0:
called_computation.2_lowered:
.L_overlay_start_0:
0x88: {  	s2 =	sld [smem:$0x3FD9]  }
0x89: {  	s3 =	sld [smem:$0x3FFE];
	_ =	sdelay $0x1  }
0x8a: {  	s1 =	srdreg.scid  }
0x8b: {  	s0 =	sand.u32 $0x1, s1  }
0x8c: {  	s17 =	sshll.u32 s0, $0xA;
	s2 =	sadd.s32 s3, s2  }
0x8d: {  	s2 =	sadd.s32 s2, s17  }
0x8e: {  	[smem:$0x3FBA] =	sst s2  }
0x8f: {  	_ = 	snop  }
0x90: {  	s2 =	sld [smem:$0x3FD0];
	(tm) =	ssettm $0x1  }
0x91: {  	s18 =	sld [smem:$0x3FFB];
	_ =	sdelay $0x3  }
0x92: {  	_ =	strace s18  }
0x93: {  	s3 =	sld [smem:$0x3FFC];
	_ =	sdelay $0x3  }
0x94: {  	_ =	strace s3  }
0x95: {  	s3 =	sld [smem:$0x3FFD];
	_ =	sdelay $0x3  }
0x96: {  	_ =	strace s3  }
0x97: {  	_ =	strace $0x8FFFFFFF  }
0x98: {  	s19 =	sld [smem:$0x3FDB];
	_ =	sdelay $0x1  }
0x99: {  	s4 =	simm.s32 $_scs_section_size  }
0x9a: {  	s5 =	simm.s32 $_size__tile_overlayer_lowered;
	s6 =	simm.s32 $_tile_overlayer_lowered  }
0x9b: {  	s22 =	simm.s32 $0x1BFF;
	s21 =	sshll.u32 s6, $0x1;
	s3 =	sadd.s32 s4, s19  }
0x9c: {  	s7 =	simm.s32 $0x0;
	s20 =	sshll.u32 s5, $0x1;
	s5 =	sadd.s32 s21, s3  }
0x9d: {  	[timem:s7], [sflag:s22] =	dma.local [hbm:s5], s20  }
0x9e: {  	_ =	swait.ge [sflag:s22], s20  }
0x9f: {  	s4 =	ssub.s32 $0x0, s20;
	[sflag:s22] =	ssyncset.done $0x0  }
0xa0: {  	[sflag:s22] =	ssyncadd.s32 s4;
	_ =	sdelay $0x1  }
0xa1: {  	s23 =	simm.s32 $0x1B8B  }
0xa2: {  	_ =	swait.ge [sflag:s23], $0x1  }
0xa3: {  	[sflag:s23] =	ssyncset.done $0x0  }
0xa4: {  	s25 =	simm.s32 $0x1B8E;
	s24 =	sld [smem:$0x3FFE];
	[sflag:s23] =	ssyncadd.s32 $0xFFFFFFFF  }
0xa5: {  	s26 =	simm.s32 $execute0_lowered;
	[smem:$0x3FD2] =	sst s25  }
0xa6: {  	s5 =	sshll.u32 s26, $0x1;
	_ =	strace $0x8000004C;
	[dreg:$0x1] =	wrdreg $0xFFFFFFFF  }
0xa7: {  	s28 =	simm.s32 $_size_execute0_lowered;
	s3 =	sadd.s32 s3, s5;
	[dreg:$0x0] =	wrdreg $0x0  }
0xa8: {  	s5 =	sshll.u32 s28, $0x1;
	[dreg:$0x2] =	wrdreg s3  }
0xa9: {  	[dreg:$0x3] =	wrdreg s5  }
0xaa: {  	[dreg:$0x4] =	wrdreg $0xC0  }
0xab: {  	_ =	task [dreg:s7], $0x5FFFF  }
0xac: {  	[dreg:$0x1] =	wrdreg $0xFFFFFFFF  }
0xad: {  	[dreg:$0x0] =	wrdreg $0x60  }
0xae: {  	[dreg:$0x2] =	wrdreg s2  }
0xaf: {  	[dreg:$0x3] =	wrdreg s24  }
0xb0: {  	[dreg:$0x4] =	wrdreg $0x0  }
0xb1: {  	[dreg:$0x5] =	wrdreg $0x9  }
0xb2: {  	_ =	task.clear_ibuf [dreg:s7], $0x6FFFF;
	_ =	strace $0x9000004C  }
0xb3: {  	s29 =	simm.s32 $0x9;
	_ =	strace $0x8000004E  }
0xb4: {  	_ =	swait.ge [sflag:s29], $0x1  }
0xb5: {  	[sflag:s29] =	ssyncadd.s32 $0xFFFFFFFF  }
0xb6: {  	_ =	strace $0x9000004E  }
0xb7: {  	_ =	sfence  }
0xb8: {  	s30 =	sld [smem:$0x0];
	_ =	sdelay $0x2  }
0xb9: {  	s31 =	sshll.u32 s1, $0xD;
	s1 =	sshrl.u32 s1, $0x2  }
0xba: {  	s3 =	sand.u32 $0x4000, s31;
	s1 =	sadd.s32 s1, s30  }
0xbb: {  	s0 =	sor.u32 s3, s0;
	s1 =	sshll.u32 s1, $0x11  }
0xbc: {  	s0 =	sor.u32 s1, s0  }
0xbd: {  	s0 =	sadd.s32 $0x8F2B, s0  }
0xbe: {  	[sflag:s0] =	ssyncadd.remote.s32 $0x1  }
0xbf: {  	_ =	sfence.sel $0xFFFF  }
0xc0: {  	[dreg:$0x0] =	wrdreg $0xFFFFFFFF;
	(pc) =	sbr.abs _section_cstart, $3  }
0xc1: {  	[dreg:$0x1] =	wrdreg $0xFFFFFFFF  }
0xc2: {  	_ =	task.clear_ibuf [dreg:s7], $0x2FFFF;
	_ =	strace $0x9FFFFFFF  }
0xc3: {  	(tm) =	ssettm $0x7FFFFFFF  }
tec
execute0_lowered:
.L_overlay_start_1:
0x0: {  	(tag) =	ssettag $0x1  }
0x1: {  	s1 =	rddreg [dreg:$0x0]  }
0x2: {  	s0 =	rddreg [dreg:$0x1]  }
0x3: {  	s2 =	rddreg [dreg:$0x2];
	s4 =	simm.s32 $0x0;
	s3 =	srdreg.scid  }
0x4: {  	s13 =	stileid.u32;
	s28 =	simm.s32 $0x1A800;
	s30 =	simm.s32 $0x1D000  }
0x5: {  	s31 =	simm.s32 $0x1;
	s29 =	simm.s32 $0x3;
	[smem:$0x7FF] =	sst s4  }
0x6: {  	s3 =	sand.u32 $0x1, s3;
	s6 =	sshll.u32 s13, $0xF;
	s9 =	smul.u32 $0x14000, s13  }
0x7: {  	s5 =	sadd.s32 $0x3E00, s0;
	s17 =	smul.u32 $0x50000, s13;
	s20 =	sshll.u32 s13, $0x6  }
0x8: {  	s7 =	smul.u32 $0x140000, s3;
	s8 =	sshll.u32 s3, $0xE;
	_ =	strace $0x8000004D  }
0x9: {  	s3 =	ssub.s32 $0x2, s3;
	s6 =	sor.u32 s8, s6;
	s18 =	sshrl.u32 s17, $0x2  }
0xa: {  	s19 =	sshrl.u32 s3, $0x1;
	s10 =	sshrl.u32 s6, $0x3;
	s16 =	sadd.s32 s9, s7  }
0xb: {  	s7 =	sadd.s32 $0x13E00, s0;
	s12 =	sadd.s32 s18, s2;
	s3 =	ssub.s32 s3, s19  }
0xc: {  	s11 =	sadd.s32 s10, s0;
	s8 =	sshrl.u32 s16, $0x3;
	s21 =	sadd.s32 $0x5000, s12  }
0xd: {  	s18 =	sadd.s32 $0xA000, s12;
	s19 =	sadd.s32 $0xF000, s12;
	s9 =	sadd.s32 s5, s10  }
0xe: {  	s25 =	smax.u32 s3, $0x1;
	s15 =	sshrl.u32 s12, $0x3;
	s16 =	simm.s32 $0x7  }
0xf: {  	s3 =	simm.s32 $0x2;
	s10 =	simm.s32 $0x6;
	s0 =	sadd.s32 s8, s0  }
0x10: {  	s8 =	sor.u32 $0x1C07, s20;
	s22 =	sadd.s32 $0x64800, s11;
	s23 =	sadd.s32 $0x10, s9  }
0x11: {  	s24 =	sadd.s32 $0x20, s9;
	[dreg:$0x8] =	wrdreg s25;
	s26 =	sshrl.u32 s21, $0x3  }
0x12: {  	s18 =	sshrl.u32 s18, $0x3;
	s19 =	sshrl.u32 s19, $0x3;
	[dreg:$0x4] =	wrdreg s22  }
.Ltmp0:
0x13: {  	s20 =	simm.s32 $0x14000;
	[dreg:$0x5] =	wrdreg s23;
	(pc) =	sbr.rel .LBB2_1-.Ltmp0, $4  }
0x14: {  	s21 =	simm.s32 $0x1F800;
	s25 =	simm.s32 $0x18000;
	[dreg:$0x6] =	wrdreg s24  }
0x15: {  	s11 =	simm.s32 $0x0;
	s0 =	sadd.s32 $0x74800, s0;
	[dreg:$0x9] =	wrdreg s26  }
0x16: {  	s22 =	simm.s32 $0x1F880;
	s23 =	simm.s32 $0x1F900;
	s24 =	simm.s32 $0x50  }
0x17: {  	s26 =	simm.s32 $0x5;
	[dreg:$0x7] =	wrdreg s0;
	s0 =	simm.s32 $0x4  }
.LBB2_4:
0x18: {  	_ =	swait.ge [sflag:s31], $0x2800  }
0x19: {  	[sflag:s31] =	ssyncset.done $0x0  }
0x1a: {  	[sflag:s31] =	ssyncadd.s32 $0xFFFFD800  }
0x1b: {  	_ =	swait.ge [sflag:s0], $0x80  }
0x1c: {  	[sflag:s0] =	ssyncset.done $0x0  }
0x1d: {  	[sflag:s0] =	ssyncadd.s32 $0xFFFFFF80  }
0x1e: {  	[spmem:s2] =	stream.indirect.scatter.add.f32 [tilespmem:s25], [sflag:$0x7], $0x80, s21, s24, $0xb8;
	[tilespmem:$0x1F980] =	vst v63  }
0x1f: {  	_ =	swait.ge [sflag:s16], $0x2800  }
0x20: {  	[sflag:s16] =	ssyncset.done $0x0  }
0x21: {  	[sflag:s16] =	ssyncadd.s32 $0xFFFFD800  }
0x22: {  	_ =	swait.ge [sflag:s3], $0x2800  }
0x23: {  	[sflag:s3] =	ssyncset.done $0x0  }
0x24: {  	[sflag:s3] =	ssyncadd.s32 $0xFFFFD800  }
0x25: {  	_ =	swait.ge [sflag:s26], $0x80  }
0x26: {  	[sflag:s26] =	ssyncset.done $0x0  }
0x27: {  	[sflag:s26] =	ssyncadd.s32 $0xFFFFFF80  }
0x28: {  	[spmem:s2] =	stream.indirect.scatter.add.f32 [tilespmem:s28], [sflag:$0x7], $0x80, s22, s24, $0xb8;
	[tilespmem:$0x1F980] =	vst v63  }
0x29: {  	_ =	swait.ge [sflag:s16], $0x2800  }
0x2a: {  	[sflag:s16] =	ssyncset.done $0x0  }
0x2b: {  	[sflag:s16] =	ssyncadd.s32 $0xFFFFD800  }
0x2c: {  	[bflag:$0x0] =	sbarrier.arrive $0xFFFF  }
0x2d: {  	s12 =	rddreg [dreg:$0x7]  }
0x2e: {  	[hbm:s12], [sflag:s8] =	dma.local [spmem:s15], $0x2800  }
0x2f: {  	_ =	swait.ge [sflag:s16], $0x2800  }
0x30: {  	s11 =	sadd.s32 $0x1, s11;
	s17 =	rddreg [dreg:$0x8]  }
0x31: {  	p0 =	sne.s32 s11, s17  }
.Ltmp1:
0x32: {  	_ = 	snop;
	(pc) =	sbr.rel @!p0 .LBB2_5-.Ltmp1, $3  }
0x33: {  	_ =	sdelay $0x1  }
0x34: {  	[sflag:s16] =	ssyncset.done $0x0  }
0x35: {  	[sflag:s16] =	ssyncadd.s32 $0xFFFFD800  }
.LBB2_1:
0x36: {  	[spmem:s15], [sflag:s8] =	dma.local [hbm:s7], $0xA00  }
0x37: {  	_ =	swait.ge [sflag:s16], $0xA00  }
0x38: {  	[sflag:s16] =	ssyncset.done $0x0  }
0x39: {  	s12 =	rddreg [dreg:$0x9];
	[sflag:s16] =	ssyncadd.s32 $0xFFFFF600  }
0x3a: {  	[spmem:s12], [sflag:s8] =	dma.local [hbm:s7], $0xA00  }
0x3b: {  	_ =	swait.ge [sflag:s16], $0xA00  }
0x3c: {  	[sflag:s16] =	ssyncset.done $0x0  }
0x3d: {  	[sflag:s16] =	ssyncadd.s32 $0xFFFFF600  }
0x3e: {  	[spmem:s18], [sflag:s8] =	dma.local [hbm:s7], $0xA00  }
0x3f: {  	_ =	swait.ge [sflag:s16], $0xA00  }
0x40: {  	[sflag:s16] =	ssyncset.done $0x0  }
0x41: {  	[sflag:s16] =	ssyncadd.s32 $0xFFFFF600  }
0x42: {  	[spmem:s19], [sflag:s8] =	dma.local [hbm:s7], $0xA00  }
0x43: {  	_ =	swait.ge [sflag:s16], $0xA00  }
0x44: {  	[sflag:s16] =	ssyncset.done $0x0  }
0x45: {  	s14 =	rddreg [dreg:$0x4];
	[sflag:s16] =	ssyncadd.s32 $0xFFFFF600  }
0x46: {  	[tilespmem:s20], [sflag:$0x7] =	stream.linear.gather [hbm4b:s14+s4], $0x3E80, $0x38;
	[tilespmem:$0x1F980] =	vst v63  }
0x47: {  	_ =	swait.ge [sflag:s16], $0x3E80  }
0x48: {  	[sflag:s16] =	ssyncset.done $0x0  }
0x49: {  	[sflag:s16] =	ssyncadd.s32 $0xFFFFC180  }
0x4a: {  	[bflag:$0x0] =	sbarrier.arrive $0xFFFF  }
0x4b: {  	[tilespmem:s21], [sflag:$0x4] =	stream.linear.gather [hbm4b:s9+s4], $0x80, $0x38;
	[tilespmem:$0x1F980] =	vst v63  }
0x4c: {  	s17 =	rddreg [dreg:$0x5]  }
0x4d: {  	[tilespmem:s22], [sflag:$0x5] =	stream.linear.gather [hbm4b:s17+s4], $0x80, $0x38;
	[tilespmem:$0x1F980] =	vst v63  }
0x4e: {  	s13 =	rddreg [dreg:$0x6]  }
0x4f: {  	[tilespmem:s23], [sflag:$0x6] =	stream.linear.gather [hbm4b:s13+s4], $0x80, $0x38;
	[tilespmem:$0x1F980] =	vst v63  }
0x50: {  	_ = 	snop  }
0x51: {  	[tilespmem:s25], [sflag:$0x1] =	stream.indirect.gather [hbm4b:s1+s24], $0x80, s20, s24, $0xb8;
	[tilespmem:$0x1F980] =	vst v63  }
0x52: {  	s14 =	simm.s32 $0x14080  }
0x53: {  	[tilespmem:s28], [sflag:$0x2] =	stream.indirect.gather [hbm4b:s1+s24], $0x80, s14, s24, $0xb8;
	[tilespmem:$0x1F980] =	vst v63  }
0x54: {  	s12 =	simm.s32 $0x14280;
	s17 =	simm.s32 $0x14100;
	s13 =	simm.s32 $0x280  }
0x55: {  	[tilespmem:s30], [sflag:$0x3] =	stream.indirect.gather [hbm4b:s1+s24], $0x80, s17, s24, $0xb8;
	[tilespmem:$0x1F980] =	vst v63  }
.LBB2_2:
0x56: {  	_ =	swait.ge [sflag:s31], $0x2800  }
0x57: {  	[sflag:s31] =	ssyncset.done $0x0  }
0x58: {  	[sflag:s31] =	ssyncadd.s32 $0xFFFFD800  }
0x59: {  	_ =	swait.ge [sflag:s0], $0x80  }
0x5a: {  	[sflag:s0] =	ssyncset.done $0x0  }
0x5b: {  	[sflag:s0] =	ssyncadd.s32 $0xFFFFFF80  }
0x5c: {  	[spmem:s2] =	stream.indirect.scatter.add.f32 [tilespmem:s25], [sflag:$0x7], $0x80, s21, s24, $0xb8;
	[tilespmem:$0x1F980] =	vst v63  }
0x5d: {  	_ =	swait.ge [sflag:s16], $0x2800  }
0x5e: {  	[sflag:s16] =	ssyncset.done $0x0  }
0x5f: {  	s14 =	sadd.s32 $0xFFFFFF00, s12;
	[sflag:s16] =	ssyncadd.s32 $0xFFFFD800  }
0x60: {  	[tilespmem:s25], [sflag:$0x1] =	stream.indirect.gather [hbm4b:s1+s24], $0x80, s14, s24, $0xb8;
	[tilespmem:$0x1F980] =	vst v63  }
0x61: {  	s14 =	sadd.s32 $0xFFFFFF00, s13  }
0x62: {  	s17 =	sand.u32 $0xFC00, s14  }
0x63: {  	s14 =	sand.u32 $0x380, s14;
	s17 =	sadd.s32 s6, s17  }
0x64: {  	s14 =	sor.u32 s14, s17  }
0x65: {  	s14 =	sshrl.u32 s14, $0x3  }
0x66: {  	s14 =	sadd.s32 s5, s14  }
0x67: {  	[tilespmem:s21], [sflag:$0x4] =	stream.linear.gather [hbm4b:s14+s4], $0x80, $0x38;
	[tilespmem:$0x1F980] =	vst v63  }
0x68: {  	_ =	swait.ge [sflag:s3], $0x2800  }
0x69: {  	[sflag:s3] =	ssyncset.done $0x0  }
0x6a: {  	[sflag:s3] =	ssyncadd.s32 $0xFFFFD800  }
0x6b: {  	_ =	swait.ge [sflag:s26], $0x80  }
0x6c: {  	[sflag:s26] =	ssyncset.done $0x0  }
0x6d: {  	[sflag:s26] =	ssyncadd.s32 $0xFFFFFF80  }
0x6e: {  	[spmem:s2] =	stream.indirect.scatter.add.f32 [tilespmem:s28], [sflag:$0x7], $0x80, s22, s24, $0xb8;
	[tilespmem:$0x1F980] =	vst v63  }
0x6f: {  	_ =	swait.ge [sflag:s16], $0x2800  }
0x70: {  	[sflag:s16] =	ssyncset.done $0x0  }
0x71: {  	s17 =	sadd.s32 $0xFFFFFF80, s12;
	s14 =	sadd.s32 $0xFFFFFF80, s13;
	[sflag:s16] =	ssyncadd.s32 $0xFFFFD800  }
0x72: {  	[tilespmem:s28], [sflag:$0x2] =	stream.indirect.gather [hbm4b:s1+s24], $0x80, s17, s24, $0xb8;
	[tilespmem:$0x1F980] =	vst v63  }
0x73: {  	s17 =	sand.u32 $0xFC00, s14  }
0x74: {  	s14 =	sand.u32 $0x380, s14;
	s17 =	sadd.s32 s6, s17  }
0x75: {  	s14 =	sor.u32 s14, s17  }
0x76: {  	s14 =	sshrl.u32 s14, $0x3  }
0x77: {  	s14 =	sadd.s32 s5, s14  }
0x78: {  	[tilespmem:s22], [sflag:$0x5] =	stream.linear.gather [hbm4b:s14+s4], $0x80, $0x38;
	[tilespmem:$0x1F980] =	vst v63  }
0x79: {  	_ =	swait.ge [sflag:s29], $0x2800  }
0x7a: {  	[sflag:s29] =	ssyncset.done $0x0  }
0x7b: {  	[sflag:s29] =	ssyncadd.s32 $0xFFFFD800  }
0x7c: {  	_ =	swait.ge [sflag:s10], $0x80  }
0x7d: {  	p0 =	seq.s32 s13, $0x3E80;
	[sflag:s10] =	ssyncset.done $0x0  }
.Ltmp2:
0x7e: {  	[sflag:s10] =	ssyncadd.s32 $0xFFFFFF80;
	(pc) =	sbr.rel @p0 .LBB2_4-.Ltmp2, $4  }
0x7f: {  	[spmem:s2] =	stream.indirect.scatter.add.f32 [tilespmem:s30], [sflag:$0x7], $0x80, s23, s24, $0xb8;
	[tilespmem:$0x1F980] =	vst v63  }
0x80: {  	_ =	swait.ge [sflag:s16], $0x2800  }
0x81: {  	[sflag:s16] =	ssyncset.done $0x0  }
0x82: {  	[sflag:s16] =	ssyncadd.s32 $0xFFFFD800  }
0x83: {  	[tilespmem:s30], [sflag:$0x3] =	stream.indirect.gather [hbm4b:s1+s24], $0x80, s12, s24, $0xb8;
	[tilespmem:$0x1F980] =	vst v63  }
0x84: {  	s14 =	sand.u32 $0xFC00, s13  }
.Ltmp3:
0x85: {  	s17 =	sand.u32 $0x380, s13;
	s14 =	sadd.s32 s6, s14;
	(pc) =	sbr.rel .LBB2_2-.Ltmp3, $4  }
0x86: {  	s14 =	sor.u32 s17, s14  }
0x87: {  	s14 =	sshrl.u32 s14, $0x3  }
0x88: {  	s12 =	sadd.s32 $0x180, s12;
	s13 =	sadd.s32 $0x180, s13;
	s14 =	sadd.s32 s5, s14  }
0x89: {  	[tilespmem:s23], [sflag:$0x6] =	stream.linear.gather [hbm4b:s14+s4], $0x80, $0x38;
	[tilespmem:$0x1F980] =	vst v63  }
.LBB2_5:
0x8a: {  	_ =	sfence.sel $0x180000  }
0x8b: {  	[bflag:$0x0] =	sbarrier.arrive $0xFFFF  }
0x8c: {  	_ =	strace $0x9000004D  }
0x8d: {  	s0 =	stileid.u32;
	[bflag:$0x2] =	sbarrier.arrive $0xFFFF  }
0x8e: {  	p0 =	sne.s32 s0, $0x0;
	s0 =	rddreg [dreg:$0x3]  }
0x8f: {  	s0 =	sadd.s32 @!p0 $0x100000, s0  }
0x90: {  	[sflag:s0] =	ssyncadd.tile.s32 @!p0 $0x1;
	_ =	shalt  }
.Lfunc_end2:
_tile_overlayer_lowered:
.L_overlay_start_2:
0x91: {  	(tag) =	ssettag $0x2  }
0x92: {  	s0 =	rddreg [dreg:$0x0];
	s2 =	stileid.u32  }
0x93: {  	s1 =	rddreg [dreg:$0x1];
	p0 =	sne.s32 s2, $0x0  }
0x94: {  	s3 =	rddreg [dreg:$0x2];
	[bflag:$0x3] =	sbarrier.arrive $0xFFFF;
	s2 =	simm.s32 @!p0 $0x1C07  }
0x95: {  	[timem:s3], [sflag:s2] =	dma.local @!p0 [hbm:s0], s1  }
0x96: {  	s0 =	simm.s32 @!p0 $0x7  }
0x97: {  	_ =	swait.ge @!p0 [sflag:s0], s1  }
0x98: {  	s1 =	ssub.s32 @!p0 $0x0, s1;
	[sflag:s0] =	ssyncset.done @!p0 $0x0  }
0x99: {  	[sflag:s0] =	ssyncadd.s32 @!p0 s1  }
0x9a: {  	[bflag:$0x3] =	sbarrier.arrive $0xFFFF  }
0x9b: {  	_ =	shalt  }

// kernel: kernel.8.cloned.1.call-start
scs
__scs_entry_jumppad:
0x0: {  	(pc) =	sbr.rel $0x88, $3  }
0x1: {  	(tag) =	ssettag $0x0;
	lr =	simm.s32 $0x1  }
0x2: {  	[smem:$0x3F93] =	sst lr;
	_ =	strace $0xD0000000  }
0x3: {  	_ = 	snop  }
0x4: {  	_ = 	snop  }
0x5: {  	_ = 	snop  }
0x6: {  	_ = 	snop  }
0x7: {  	_ = 	snop  }
__scs_overlays_trampoline_lowered:
0x8: {  	[smem:$0x3FA2] =	sst s0  }
0x9: {  	[smem:$0x3FA3] =	sst s1  }
0xa: {  	[smem:$0x3FA4] =	sst s2  }
0xb: {  	[smem:$0x3FA5] =	sst s3  }
0xc: {  	[smem:$0x3FA6] =	sst s4  }
0xd: {  	[smem:$0x3FA7] =	sst s5  }
0xe: {  	[smem:$0x3FA8] =	sst s6  }
0xf: {  	[smem:$0x3FA9] =	sst s7  }
0x10: {  	[smem:$0x3FAA] =	sst s8  }
0x11: {  	[smem:$0x3FAB] =	sst s9;
	s0 =	simm.s32 @!p0 $0x0  }
0x12: {  	s1 =	sld [smem:$0x3F91];
	s0 =	simm.s32 @p0 $0x1  }
0x13: {  	[smem:$0x3FAC] =	sst s0;
	s0 =	simm.s32 @!p1 $0x0  }
0x14: {  	s2 =	sld [smem:$0x3F90];
	s0 =	simm.s32 @p1 $0x1  }
0x15: {  	[smem:$0x3FAD] =	sst s0;
	s0 =	simm.s32 @!p2 $0x0  }
0x16: {  	s3 =	sld [smem:$0x3FDB];
	s0 =	simm.s32 @p2 $0x1  }
0x17: {  	s4 =	simm.s32 $0x1BF5;
	[smem:$0x3FAF] =	sst s0  }
0x18: {  	s0 =	sld [smem:$0x3F92];
	_ =	swait.ge [sflag:s4], $0x0  }
0x19: {  	s7 =	sld [smem:$0x3F93]  }
0x1a: {  	s8 =	sadd.s32 $0xFFFFE003, lr  }
0x1b: {  	s9 =	sadd.s32 $0xFFFFFEF7, lr;
	s5 =	simm.s32 $0xFFFFFFFF;
	p2 =	slt.u32 s8, $0xFFFFF086  }
0x1c: {  	p1 =	slt.u32 s9, $0xF7A;
	s5 =	simm.s32 @!p2 $0x0  }
0x1d: {  	s5 =	simm.s32 @p1 $0x1;
	p0 =	seq.s32 s7, s2  }
0x1e: {  	s7 =	smul.u32 @!p0 $0xF7A, s2;
	p2 =	seq.s32 @!p0 s5, $0x0  }
0x1f: {  	s9 =	smul.u32 $0xF7A, s1;
	s8 =	simm.s32 @!p0 $0x1BF5;
	p2 =	por !p2, p0  }
0x20: {  	[sflag:s8] =	ssyncset.s32 @!p0 $0xFFFFF086;
	s6 =	sadd.s32 @!p0 s3, s7;
	s7 =	simm.s32 @!p0 $0x108  }
0x21: {  	s3 =	sadd.s32 s3, s9;
	s6 =	sadd.s32 @!p0 $0x88, s6;
	s7 =	simm.s32 @p2 $0x1082  }
0x22: {  	[simem:s7], [sflag:s8] =	dma.local @!p0 [hbm:s6], $0xF7A  }
0x23: {  	s9 =	sor.u32 $0xD0000000, s2;
	s6 =	simm.s32 $0x108;
	_ =	swait.ge @!p0 [sflag:s8], $0x0  }
0x24: {  	s3 =	sadd.s32 $0x88, s3;
	s6 =	simm.s32 @!p1 $0x1082;
	[sflag:s4] =	ssyncset.s32 $0xFFFFF086  }
0x25: {  	[simem:s6], [sflag:s4] =	dma.local [hbm:s3], $0xF7A  }
0x26: {  	[smem:$0x3F93] =	sst s1;
	(tag) =	ssettag s2;
	_ =	strace s9  }
0x27: {  	s1 =	sld [smem:$0x3FA3]  }
0x28: {  	s2 =	sld [smem:$0x3FA4]  }
0x29: {  	s4 =	sld [smem:$0x3FA6]  }
0x2a: {  	p0 =	seq.s32 s5, $0x0;
	s5 =	sld [smem:$0x3FA7]  }
0x2b: {  	s6 =	sld [smem:$0x3FA8]  }
0x2c: {  	s7 =	sld [smem:$0x3FA9]  }
0x2d: {  	s3 =	simm.s32 $0x108;
	s8 =	sld [smem:$0x3FAA]  }
0x2e: {  	s3 =	simm.s32 @!p0 $0x1082;
	s9 =	sld [smem:$0x3FAB]  }
0x2f: {  	lr =	sadd.s32 s0, s3;
	s0 =	sld [smem:$0x3FA2]  }
0x30: {  	s3 =	sld [smem:$0x3FA5]  }
0x31: {  	[smem:$0x3FAE] =	sst s10  }
0x32: {  	s10 =	sld [smem:$0x3FAC];
	_ =	sdelay $0x3  }
0x33: {  	p0 =	seq.s32 s10, $0x1;
	s10 =	sld [smem:$0x3FAE];
	_ =	sdelay $0x3  }
0x34: {  	[smem:$0x3FAE] =	sst s10  }
0x35: {  	s10 =	sld [smem:$0x3FAD];
	_ =	sdelay $0x3  }
0x36: {  	p1 =	seq.s32 s10, $0x1;
	s10 =	sld [smem:$0x3FAE];
	_ =	sdelay $0x3  }
0x37: {  	[smem:$0x3FAE] =	sst s10  }
0x38: {  	s10 =	sld [smem:$0x3FAF]  }
0x39: {  	_ = 	snop;
	(pc) =	sbr.ind lr, $3  }
0x3a: {  	_ = 	snop  }
0x3b: {  	_ = 	snop  }
0x3c: {  	p2 =	seq.s32 s10, $0x1;
	s10 =	sld [smem:$0x3FAE]  }
0x3d: {  	_ =	shalt  }
0x3e: {  	_ =	shalt  }
0x3f: {  	_ =	shalt  }
0x40: {  	_ =	shalt  }
0x41: {  	_ =	shalt  }
0x42: {  	_ =	shalt  }
0x43: {  	_ =	shalt  }
0x44: {  	_ =	shalt  }
0x45: {  	_ =	shalt  }
0x46: {  	_ =	shalt  }
0x47: {  	_ =	shalt  }
0x48: {  	_ =	shalt  }
0x49: {  	_ =	shalt  }
0x4a: {  	_ =	shalt  }
0x4b: {  	_ =	shalt  }
0x4c: {  	_ =	shalt  }
0x4d: {  	_ =	shalt  }
0x4e: {  	_ =	shalt  }
0x4f: {  	_ =	shalt  }
0x50: {  	_ =	shalt  }
0x51: {  	_ =	shalt  }
0x52: {  	_ =	shalt  }
0x53: {  	_ =	shalt  }
0x54: {  	_ =	shalt  }
0x55: {  	_ =	shalt  }
0x56: {  	_ =	shalt  }
0x57: {  	_ =	shalt  }
0x58: {  	_ =	shalt  }
0x59: {  	_ =	shalt  }
0x5a: {  	_ =	shalt  }
0x5b: {  	_ =	shalt  }
0x5c: {  	_ =	shalt  }
0x5d: {  	_ =	shalt  }
0x5e: {  	_ =	shalt  }
0x5f: {  	_ =	shalt  }
0x60: {  	_ =	shalt  }
0x61: {  	_ =	shalt  }
0x62: {  	_ =	shalt  }
0x63: {  	_ =	shalt  }
0x64: {  	_ =	shalt  }
0x65: {  	_ =	shalt  }
0x66: {  	_ =	shalt  }
0x67: {  	_ =	shalt  }
0x68: {  	_ =	shalt  }
0x69: {  	_ =	shalt  }
0x6a: {  	_ =	shalt  }
0x6b: {  	_ =	shalt  }
0x6c: {  	_ =	shalt  }
0x6d: {  	_ =	shalt  }
0x6e: {  	_ =	shalt  }
0x6f: {  	_ =	shalt  }
0x70: {  	_ =	shalt  }
0x71: {  	_ =	shalt  }
0x72: {  	_ =	shalt  }
0x73: {  	_ =	shalt  }
0x74: {  	_ =	shalt  }
0x75: {  	_ =	shalt  }
0x76: {  	_ =	shalt  }
0x77: {  	_ =	shalt  }
0x78: {  	_ =	shalt  }
0x79: {  	_ =	shalt  }
0x7a: {  	_ =	shalt  }
0x7b: {  	_ =	shalt  }
0x7c: {  	_ =	shalt  }
0x7d: {  	_ =	shalt  }
0x7e: {  	_ =	shalt  }
0x7f: {  	_ =	shalt  }
0x80: {  	_ =	shalt  }
0x81: {  	_ =	shalt  }
0x82: {  	_ =	shalt  }
0x83: {  	_ =	shalt  }
0x84: {  	_ =	shalt  }
0x85: {  	_ =	shalt  }
0x86: {  	_ =	shalt  }
0x87: {  	_ =	shalt  }
.Lfunc_end0:
.L_simem_size_0:
called_computation_lowered:
.L_overlay_start_0:
0x88: {  	s2 =	sld [smem:$0x3FD9]  }
0x89: {  	s3 =	sld [smem:$0x3FFE];
	_ =	sdelay $0x1  }
0x8a: {  	s1 =	srdreg.scid  }
0x8b: {  	s0 =	sand.u32 $0x1, s1  }
0x8c: {  	s17 =	sshll.u32 s0, $0xA;
	s2 =	sadd.s32 s3, s2  }
0x8d: {  	s2 =	sadd.s32 s2, s17  }
0x8e: {  	[smem:$0x3FBA] =	sst s2  }
0x8f: {  	_ = 	snop  }
0x90: {  	s2 =	sld [smem:$0x3FD0];
	(tm) =	ssettm $0x1  }
0x91: {  	s18 =	sld [smem:$0x3FFB];
	_ =	sdelay $0x3  }
0x92: {  	_ =	strace s18  }
0x93: {  	s3 =	sld [smem:$0x3FFC];
	_ =	sdelay $0x3  }
0x94: {  	_ =	strace s3  }
0x95: {  	s3 =	sld [smem:$0x3FFD];
	_ =	sdelay $0x3  }
0x96: {  	_ =	strace s3  }
0x97: {  	_ =	strace $0x8FFFFFFF  }
0x98: {  	s19 =	sld [smem:$0x3FDB];
	_ =	sdelay $0x1  }
0x99: {  	s4 =	simm.s32 $_scs_section_size  }
0x9a: {  	s5 =	simm.s32 $_size__tile_overlayer_lowered;
	s6 =	simm.s32 $_tile_overlayer_lowered  }
0x9b: {  	s22 =	simm.s32 $0x1BFF;
	s21 =	sshll.u32 s6, $0x1;
	s3 =	sadd.s32 s4, s19  }
0x9c: {  	s7 =	simm.s32 $0x0;
	s20 =	sshll.u32 s5, $0x1;
	s5 =	sadd.s32 s21, s3  }
0x9d: {  	[timem:s7], [sflag:s22] =	dma.local [hbm:s5], s20  }
0x9e: {  	_ =	swait.ge [sflag:s22], s20  }
0x9f: {  	s4 =	ssub.s32 $0x0, s20;
	[sflag:s22] =	ssyncset.done $0x0  }
0xa0: {  	[sflag:s22] =	ssyncadd.s32 s4;
	_ =	sdelay $0x1  }
0xa1: {  	s23 =	simm.s32 $0x1B8B  }
0xa2: {  	_ =	swait.ge [sflag:s23], $0x1  }
0xa3: {  	[sflag:s23] =	ssyncset.done $0x0  }
0xa4: {  	s25 =	simm.s32 $0x1B8E;
	s24 =	sld [smem:$0x3FFE];
	[sflag:s23] =	ssyncadd.s32 $0xFFFFFFFF  }
0xa5: {  	s26 =	simm.s32 $execute0_lowered;
	[smem:$0x3FD2] =	sst s25  }
0xa6: {  	s5 =	sshll.u32 s26, $0x1;
	_ =	strace $0x80000046;
	[dreg:$0x1] =	wrdreg $0xFFFFFFFF  }
0xa7: {  	s28 =	simm.s32 $_size_execute0_lowered;
	s3 =	sadd.s32 s3, s5;
	[dreg:$0x0] =	wrdreg $0x0  }
0xa8: {  	s5 =	sshll.u32 s28, $0x1;
	[dreg:$0x2] =	wrdreg s3  }
0xa9: {  	[dreg:$0x3] =	wrdreg s5  }
0xaa: {  	[dreg:$0x4] =	wrdreg $0xC0  }
0xab: {  	_ =	task [dreg:s7], $0x5FFFF  }
0xac: {  	[dreg:$0x1] =	wrdreg $0xFFFFFFFF  }
0xad: {  	[dreg:$0x0] =	wrdreg $0x60  }
0xae: {  	[dreg:$0x2] =	wrdreg s24  }
0xaf: {  	[dreg:$0x3] =	wrdreg s2  }
0xb0: {  	[dreg:$0x4] =	wrdreg $0x0  }
0xb1: {  	[dreg:$0x5] =	wrdreg $0x9  }
0xb2: {  	_ =	task.clear_ibuf [dreg:s7], $0x6FFFF;
	_ =	strace $0x90000046  }
0xb3: {  	s29 =	simm.s32 $0x9;
	_ =	strace $0x80000048  }
0xb4: {  	_ =	swait.ge [sflag:s29], $0x1  }
0xb5: {  	[sflag:s29] =	ssyncadd.s32 $0xFFFFFFFF  }
0xb6: {  	_ =	strace $0x90000048  }
0xb7: {  	_ =	sfence  }
0xb8: {  	s30 =	sld [smem:$0x0];
	_ =	sdelay $0x2  }
0xb9: {  	s31 =	sshll.u32 s1, $0xD;
	s1 =	sshrl.u32 s1, $0x2  }
0xba: {  	s3 =	sand.u32 $0x4000, s31;
	s1 =	sadd.s32 s1, s30  }
0xbb: {  	s0 =	sor.u32 s3, s0;
	s1 =	sshll.u32 s1, $0x11  }
0xbc: {  	s0 =	sor.u32 s1, s0  }
0xbd: {  	s0 =	sadd.s32 $0x8F2B, s0  }
0xbe: {  	[sflag:s0] =	ssyncadd.remote.s32 $0x1  }
0xbf: {  	_ =	sfence.sel $0xFFFF  }
0xc0: {  	[dreg:$0x0] =	wrdreg $0xFFFFFFFF;
	(pc) =	sbr.abs _section_cstart, $3  }
0xc1: {  	[dreg:$0x1] =	wrdreg $0xFFFFFFFF  }
0xc2: {  	_ =	task.clear_ibuf [dreg:s7], $0x2FFFF;
	_ =	strace $0x9FFFFFFF  }
0xc3: {  	(tm) =	ssettm $0x7FFFFFFF  }
tec
execute0_lowered:
.L_overlay_start_1:
0x0: {  	(tag) =	ssettag $0x1  }
0x1: {  	s6 =	rddreg [dreg:$0x0]  }
0x2: {  	s1 =	rddreg [dreg:$0x1]  }
0x3: {  	s2 =	rddreg [dreg:$0x2];
	s3 =	srdreg.scid  }
0x4: {  	s0 =	rddreg [dreg:$0x3];
	s4 =	simm.s32 $0x0;
	s15 =	simm.s32 $0x18000  }
0x5: {  	s16 =	simm.s32 $0x14000;
	s7 =	sand.u32 $0x1, s3;
	s3 =	stileid.u32  }
0x6: {  	s17 =	simm.s32 $0x50;
	[smem:$0x7FF] =	sst s4;
	s5 =	smul.u32 $0x140000, s7  }
0x7: {  	s18 =	simm.s32 $0x0;
	s8 =	smul.u32 $0x14000, s3;
	_ =	strace $0x80000047  }
0x8: {  	s9 =	sshll.u32 s7, $0xB;
	s10 =	smul.u32 $0x50000, s3;
	s7 =	ssub.s32 $0x2, s7  }
0x9: {  	s30 =	sshll.u32 s3, $0x6;
	s31 =	sshll.u32 s3, $0xC;
	s9 =	sadd.s32 s9, s6  }
0xa: {  	s29 =	sshrl.u32 s7, $0x1;
	s8 =	sadd.s32 s8, s5;
	s5 =	sadd.s32 $0x13E00, s6  }
0xb: {  	s10 =	sshrl.u32 s10, $0x2;
	s11 =	ssub.s32 s7, s29;
	s7 =	sadd.s32 s31, s9  }
0xc: {  	s8 =	sshrl.u32 s8, $0x3;
	s10 =	sadd.s32 s10, s2;
	s7 =	sadd.s32 $0x3E00, s7  }
0xd: {  	s9 =	smax.u32 s11, $0x1;
	s11 =	simm.s32 $0x1;
	s8 =	sadd.s32 s8, s6  }
0xe: {  	s6 =	sor.u32 $0x1C01, s30;
	s12 =	sadd.s32 $0x5000, s10;
	s13 =	sadd.s32 $0xA000, s10  }
0xf: {  	s14 =	sadd.s32 $0xF000, s10;
	s10 =	sshrl.u32 s10, $0x3;
	s8 =	sadd.s32 $0x14800, s8  }
0x10: {  	s12 =	sshrl.u32 s12, $0x3;
	s13 =	sshrl.u32 s13, $0x3;
	s14 =	sshrl.u32 s14, $0x3  }
.LBB2_1:
0x11: {  	[spmem:s10], [sflag:s6] =	dma.local [hbm:s5], $0xA00  }
0x12: {  	_ =	swait.ge [sflag:s11], $0xA00  }
0x13: {  	[sflag:s11] =	ssyncset.done $0x0  }
0x14: {  	[sflag:s11] =	ssyncadd.s32 $0xFFFFF600  }
0x15: {  	[spmem:s12], [sflag:s6] =	dma.local [hbm:s5], $0xA00  }
0x16: {  	_ =	swait.ge [sflag:s11], $0xA00  }
0x17: {  	[sflag:s11] =	ssyncset.done $0x0  }
0x18: {  	[sflag:s11] =	ssyncadd.s32 $0xFFFFF600  }
0x19: {  	[spmem:s13], [sflag:s6] =	dma.local [hbm:s5], $0xA00  }
0x1a: {  	_ =	swait.ge [sflag:s11], $0xA00  }
0x1b: {  	[sflag:s11] =	ssyncset.done $0x0  }
0x1c: {  	[sflag:s11] =	ssyncadd.s32 $0xFFFFF600  }
0x1d: {  	[spmem:s14], [sflag:s6] =	dma.local [hbm:s5], $0xA00  }
0x1e: {  	_ =	swait.ge [sflag:s11], $0xA00  }
0x1f: {  	[sflag:s11] =	ssyncset.done $0x0  }
0x20: {  	[sflag:s11] =	ssyncadd.s32 $0xFFFFF600  }
0x21: {  	[tilespmem:s15], [sflag:$0x1] =	stream.linear.gather [hbm4b:s1+s4], $0x2800, $0x38;
	[tilespmem:$0x1A800] =	vst v63  }
0x22: {  	_ =	swait.ge [sflag:s11], $0x2800  }
0x23: {  	[sflag:s11] =	ssyncset.done $0x0  }
0x24: {  	[sflag:s11] =	ssyncadd.s32 $0xFFFFD800  }
0x25: {  	[tilespmem:s16], [sflag:$0x1] =	stream.linear.gather [hbm4b:s7+s4], $0x3E80, $0x38;
	[tilespmem:$0x1A800] =	vst v63  }
0x26: {  	_ =	swait.ge [sflag:s11], $0x3E80  }
0x27: {  	[sflag:s11] =	ssyncset.done $0x0  }
0x28: {  	[sflag:s11] =	ssyncadd.s32 $0xFFFFC180  }
0x29: {  	s19 =	simm.s32 $0x14000;
	[bflag:$0x0] =	sbarrier.arrive $0xFFFF  }
0x2a: {  	[spmem:s2] =	stream.indirect.scatter.add.f32 [tilespmem:s15], [sflag:$0x1], $0x80, s19, s17, $0xb8;
	[tilespmem:$0x1A800] =	vst v63  }
0x2b: {  	s19 =	simm.s32 $0x200;
	_ =	swait.ge [sflag:s11], $0x2800  }
.LBB2_2:
0x2c: {  	s20 =	sshra.s32 s19, $0x2;
	[sflag:s11] =	ssyncset.done $0x0;
	p0 =	sne.s32 s19, $0xF800  }
.Ltmp0:
0x2d: {  	s20 =	sadd.s32 $0x14000, s20;
	[sflag:s11] =	ssyncadd.s32 $0xFFFFD800;
	(pc) =	sbr.rel @p0 .LBB2_2-.Ltmp0, $3  }
0x2e: {  	[spmem:s2] =	stream.indirect.scatter.add.f32 [tilespmem:s15], [sflag:$0x1], $0x80, s20, s17, $0xb8;
	[tilespmem:$0x1A800] =	vst v63  }
0x2f: {  	s19 =	sadd.s32 $0x200, s19;
	_ =	sdelay $0x1  }
0x30: {  	_ =	swait.ge [sflag:s11], $0x2800  }
0x31: {  	[sflag:s11] =	ssyncset.done $0x0;
	s18 =	sadd.s32 $0x1, s18  }
0x32: {  	[sflag:s11] =	ssyncadd.s32 $0xFFFFD800;
	p0 =	sne.s32 s18, s9  }
.Ltmp1:
0x33: {  	[bflag:$0x0] =	sbarrier.arrive $0xFFFF;
	(pc) =	sbr.rel @p0 .LBB2_1-.Ltmp1, $4  }
0x34: {  	[hbm:s8], [sflag:s6] =	dma.local [spmem:s10], $0x2800  }
0x35: {  	_ =	swait.ge [sflag:s11], $0x2800  }
0x36: {  	[sflag:s11] =	ssyncset.done $0x0  }
0x37: {  	[sflag:s11] =	ssyncadd.s32 $0xFFFFD800  }
0x38: {  	_ =	sfence.sel $0x180000  }
0x39: {  	[bflag:$0x0] =	sbarrier.arrive $0xFFFF  }
0x3a: {  	p0 =	sne.s32 s3, $0x0;
	_ =	strace $0x90000047  }
0x3b: {  	s0 =	sadd.s32 @!p0 $0x100000, s0;
	[bflag:$0x2] =	sbarrier.arrive $0xFFFF  }
0x3c: {  	[sflag:s0] =	ssyncadd.tile.s32 @!p0 $0x1;
	_ =	shalt  }
.Lfunc_end2:
_tile_overlayer_lowered:
.L_overlay_start_2:
0x3d: {  	(tag) =	ssettag $0x2  }
0x3e: {  	s0 =	rddreg [dreg:$0x0];
	s2 =	stileid.u32  }
0x3f: {  	s1 =	rddreg [dreg:$0x1];
	p0 =	sne.s32 s2, $0x0  }
0x40: {  	s3 =	rddreg [dreg:$0x2];
	[bflag:$0x3] =	sbarrier.arrive $0xFFFF;
	s2 =	simm.s32 @!p0 $0x1C01  }
0x41: {  	[timem:s3], [sflag:s2] =	dma.local @!p0 [hbm:s0], s1  }
0x42: {  	s0 =	simm.s32 @!p0 $0x1  }
0x43: {  	_ =	swait.ge @!p0 [sflag:s0], s1  }
0x44: {  	s1 =	ssub.s32 @!p0 $0x0, s1;
	[sflag:s0] =	ssyncset.done @!p0 $0x0  }
0x45: {  	[sflag:s0] =	ssyncadd.s32 @!p0 s1  }
0x46: {  	[bflag:$0x3] =	sbarrier.arrive $0xFFFF  }
0x47: {  	_ =	shalt  }

</sc_bundles>
